<compile_context>
chip_gen: v7x
topology: tpu7x:2x2x1
jax: 0.10.2.dev20260603
libtpu: 0.0.44.dev20260713+nightly
codegen_flags: <defaults>
</compile_context>

<pallas_src>
import functools

import jax
import jax.numpy as jnp
from jax import lax
from jax.experimental import pallas as pl
from jax.experimental.pallas import tpu as pltpu
from jax.experimental.pallas import tpu_sc as plsc

B, S, D_IN, HID, VOCAB, MAX_LEN = 16, 8, 256, 512, 128, 512
R = B * S
FLAT = S * MAX_LEN


def _tdot(w, x):
    return lax.dot_general(w, x, (((0,), (0,)), ((), ())),
                           preferred_element_type=jnp.float32)


def _rnn_body(x_ref, win_ref, wh_ref, wout_ref,
              tok_out_ref, lp_out_ref, ent_out_ref, dest_out_ref,
              tok_ref, lp_ref, ent_ref):
    h0 = jnp.tanh(lax.dot_general(win_ref[...], x_ref[...],
                                  (((0,), (1,)), ((), ())),
                                  preferred_element_type=jnp.float32))
    wh = wh_ref[...]
    wout = wout_ref[...]
    vocab_iota = lax.broadcasted_iota(jnp.int32, (VOCAB, R), 0)

    def step(t, h):
        h = jnp.tanh(_tdot(wh, h))
        logits = _tdot(wout, h)
        m = jnp.max(logits, axis=0, keepdims=True)
        shifted = logits - m
        e = jnp.exp(shifted)
        ssum = jnp.sum(e, axis=0, keepdims=True)
        tok = jnp.min(jnp.where(logits == m, vocab_iota, VOCAB),
                      axis=0, keepdims=True)
        logs = jnp.log(ssum)
        lp = -logs
        ent = logs - jnp.sum(e * shifted, axis=0, keepdims=True) / ssum
        tok_ref[pl.ds(t, 1), :] = tok
        lp_ref[pl.ds(t, 1), :] = lp
        ent_ref[pl.ds(t, 1), :] = ent
        return h

    lax.fori_loop(0, MAX_LEN, step, h0, unroll=32)

    toks = tok_ref[...]
    pos = lax.broadcasted_iota(jnp.int32, (MAX_LEN, R), 0)
    fz = jnp.min(jnp.where(toks == 0, pos, MAX_LEN), axis=0, keepdims=True)
    length = jnp.minimum(fz + 1, MAX_LEN)
    p = length - 1
    p_f = p.astype(jnp.float32)

    r0 = lax.broadcasted_iota(jnp.int32, (R, R), 0)
    r1 = lax.broadcasted_iota(jnp.int32, (R, R), 1)
    same_b = (r0 // S) == (r1 // S)
    mt_strict = jnp.where(same_b & (r0 < r1), 1.0, 0.0).astype(jnp.float32)
    mt_block = jnp.where(same_b, 1.0, 0.0).astype(jnp.float32)
    fo = jnp.dot(p_f, mt_strict, preferred_element_type=jnp.float32,
                 precision=lax.Precision.HIGHEST)
    tf = jnp.dot(p_f, mt_block, preferred_element_type=jnp.float32,
                 precision=lax.Precision.HIGHEST)
    s_idx = lax.broadcasted_iota(jnp.int32, (1, R), 1) % S
    lo = s_idx.astype(jnp.float32) * MAX_LEN - fo
    pos_f = pos.astype(jnp.float32)
    dest_f = jnp.where(pos < p, fo + pos_f, tf + lo + pos_f - p_f)

    tok_out_ref[...] = toks.T
    lp_out_ref[...] = lp_ref[...].T
    ent_out_ref[...] = ent_ref[...].T
    dest_out_ref[...] = dest_f.astype(jnp.int32).T


_rnn_call = pl.pallas_call(
    _rnn_body,
    out_shape=[
        jax.ShapeDtypeStruct((R, MAX_LEN), jnp.int32),
        jax.ShapeDtypeStruct((R, MAX_LEN), jnp.float32),
        jax.ShapeDtypeStruct((R, MAX_LEN), jnp.float32),
        jax.ShapeDtypeStruct((R, MAX_LEN), jnp.int32),
    ],
    scratch_shapes=[
        pltpu.VMEM((MAX_LEN, R), jnp.int32),
        pltpu.VMEM((MAX_LEN, R), jnp.float32),
        pltpu.VMEM((MAX_LEN, R), jnp.float32),
    ],
)


_NC, _NS = 2, 16
_NW = _NC * _NS


def _sc_scatter_body(toks_hbm, lp_hbm, ent_hbm, dest_hbm,
                     out_m_hbm, out_lp_hbm, out_ent_hbm,
                     val_v, tok_v, orow_f, orow_i, idx_v):
    wid = lax.axis_index("s") * _NC + lax.axis_index("c")
    b = lax.rem(wid, B)
    pltpu.sync_copy(dest_hbm.at[b], idx_v)

    @pl.when(wid < B)
    def _():
        pltpu.sync_copy(lp_hbm.at[b], val_v)

    @pl.when(wid >= B)
    def _():
        pltpu.sync_copy(ent_hbm.at[b], val_v)

    def body_f(i, carry):
        sl = pl.ds(i * 16, 16)
        plsc.store_scatter(orow_f, [idx_v[sl]], val_v[sl])
        return carry

    lax.fori_loop(0, FLAT // 16, body_f, 0)

    @pl.when(wid < B)
    def _():
        pltpu.sync_copy(orow_f, out_lp_hbm.at[b])
        pltpu.sync_copy(toks_hbm.at[b], tok_v)

        def body_i(i, carry):
            sl = pl.ds(i * 16, 16)
            plsc.store_scatter(orow_i, [idx_v[sl]], tok_v[sl])
            return carry

        lax.fori_loop(0, FLAT // 16, body_i, 0)
        pltpu.sync_copy(orow_i, out_m_hbm.at[b])

    @pl.when(wid >= B)
    def _():
        pltpu.sync_copy(orow_f, out_ent_hbm.at[b])


@functools.cache
def _make_sc_scatter():
    return pl.kernel(
        _sc_scatter_body,
        mesh=plsc.VectorSubcoreMesh(
            core_axis_name="c", subcore_axis_name="s",
            num_cores=_NC, num_subcores=_NS),
        out_type=[
            jax.ShapeDtypeStruct((B, FLAT), jnp.int32),
            jax.ShapeDtypeStruct((B, FLAT), jnp.float32),
            jax.ShapeDtypeStruct((B, FLAT), jnp.float32),
        ],
        scratch_types=[
            pltpu.VMEM((FLAT,), jnp.float32),
            pltpu.VMEM((FLAT,), jnp.int32),
            pltpu.VMEM((FLAT,), jnp.float32),
            pltpu.VMEM((FLAT,), jnp.int32),
            pltpu.VMEM((FLAT,), jnp.int32),
        ],
        compiler_params=pltpu.CompilerParams(needs_layout_passes=False),
    )


@jax.jit
def kernel(input, W_in, W_h, W_out):
    x = input.reshape(R, D_IN)
    toks_r, lp_r, ent_r, dest_r = _rnn_call(x, W_in, W_h, W_out)
    return tuple(_make_sc_scatter()(toks_r.reshape(B, FLAT),
                                    lp_r.reshape(B, FLAT),
                                    ent_r.reshape(B, FLAT),
                                    dest_r.reshape(B, FLAT)))

# --- scband reference (transcript-rebuilt; emitter-appended) ---
"""Pipeline reference for scband-sender-concat-wrapper-7009386627633 (READ-ONLY COPY).

The authoritative reference and input builder live on the scoring server;
editing this copy changes nothing except your own understanding.
"""

import jax, jax.numpy as jnp
import numpy as np

B, S, D_IN, HID, VOCAB, MAX_LEN = 16, 8, 256, 512, 128, 512

def setup_inputs(seed: int = 0):
    key = jax.random.key(seed)
    k1, k2, k3, k4 = jax.random.split(key, 4)
    return {
        "input": jax.random.normal(k1, (B, S, D_IN), dtype=jnp.float32),
        "W_in": jax.random.normal(k2, (D_IN, HID), dtype=jnp.float32) / np.sqrt(D_IN),
        "W_h": jax.random.normal(k3, (HID, HID), dtype=jnp.float32) / np.sqrt(HID),
        "W_out": jax.random.normal(k4, (HID, VOCAB), dtype=jnp.float32) / np.sqrt(HID),
    }

def _sender(x_j, W_in, W_h, W_out):
    # Deterministic greedy RnnSenderReinforce-style sender: returns (tokens, log_probs, entropies)
    h0 = jnp.tanh(x_j @ W_in)
    def step(h, _):
        h_new = jnp.tanh(h @ W_h)
        logits = h_new @ W_out
        logp = jax.nn.log_softmax(logits, axis=-1)
        tok = jnp.argmax(logits, axis=-1)
        lp = jnp.take_along_axis(logp, tok[:, None], axis=1)[:, 0]
        ent = -jnp.sum(jnp.exp(logp) * logp, axis=-1)
        return h_new, (tok, lp, ent)
    _, (toks, lps, ents) = jax.lax.scan(step, h0, None, length=MAX_LEN)
    return toks.T, lps.T, ents.T  # each [B, MAX_LEN]

def _find_lengths(m):
    max_k = m.shape[1]
    zero_mask = (m == 0)
    lengths = max_k - jnp.sum(jnp.cumsum(zero_mask, axis=1) > 0, axis=1)
    return jnp.minimum(lengths + 1, max_k)

def _cut_concat(vals, lengths):
    # vals: [B, S, L]; lengths: [B, S]. Output [B, S*L]: per example, all 'former'
    # slices (first lengths-1 entries of each row) then all 'latter' slices.
    Bv, Sv, L = vals.shape
    def per_batch(v, ln):
        p = ln - 1
        former_off = jnp.cumsum(p) - p
        total_former = jnp.sum(p)
        latter_counts = L - p
        latter_off = jnp.cumsum(latter_counts) - latter_counts
        pos = jnp.arange(L)[None, :]
        is_former = pos < p[:, None]
        dest = jnp.where(is_former,
                         former_off[:, None] + pos,
                         total_former + latter_off[:, None] + (pos - p[:, None]))
        out = jnp.zeros((Sv * L,), dtype=v.dtype).at[dest.reshape(-1)].set(v.reshape(-1))
        return out
    return jax.vmap(per_batch)(vals, lengths)

def reference(input, W_in, W_h, W_out):
    toks_l, lp_l, en_l, len_l = [], [], [], []
    for j in range(input.shape[1]):
        m, lp, en = _sender(input[:, j], W_in, W_h, W_out)
        len_l.append(_find_lengths(m))
        toks_l.append(m)
        lp_l.append(lp)
        en_l.append(en)
    lengths = jnp.stack(len_l, axis=1)
    message = _cut_concat(jnp.stack(toks_l, axis=1), lengths)
    log_prob_s = _cut_concat(jnp.stack(lp_l, axis=1), lengths)
    entropy_s = _cut_concat(jnp.stack(en_l, axis=1), lengths)
    return (message, log_prob_s, entropy_s)

if __name__ == "__main__":
    import jax
    _d = setup_inputs()
    print(jax.jit(kernel)(*tuple(_d.values())))

</pallas_src>

<mosaic_0001>
#map = affine_map<(d0, d1) -> (0, 0)>
module attributes {stable_mosaic.version = 14 : i64} {
  func.func @_sc_scatter_body(%arg0: i32, %arg1: i32, %arg2: memref<16x4096xi32, #tpu.memory_space<hbm>>, %arg3: memref<16x4096xf32, #tpu.memory_space<hbm>>, %arg4: memref<16x4096xf32, #tpu.memory_space<hbm>>, %arg5: memref<16x4096xi32, #tpu.memory_space<hbm>>, %arg6: memref<16x4096xi32, #tpu.memory_space<hbm>>, %arg7: memref<16x4096xf32, #tpu.memory_space<hbm>>, %arg8: memref<16x4096xf32, #tpu.memory_space<hbm>>, %arg9: memref<4096xf32, #tpu.memory_space<vmem>>, %arg10: memref<4096xi32, #tpu.memory_space<vmem>>, %arg11: memref<4096xf32, #tpu.memory_space<vmem>>, %arg12: memref<4096xi32, #tpu.memory_space<vmem>>, %arg13: memref<4096xi32, #tpu.memory_space<vmem>>) attributes {dimension_semantics = [#tpu.dimension_semantics<core_parallel>, #tpu.dimension_semantics<subcore_parallel>], iteration_bounds = array<i64: 2, 16>, scalar_prefetch = 0 : i64, scratch_operands = 5 : i64, tpu.core_type = #tpu.core_type<sc_vector_subcore>, window_params = [{transform_indices = #map}, {transform_indices = #map}, {transform_indices = #map}, {transform_indices = #map}, {transform_indices = #map}, {transform_indices = #map}, {transform_indices = #map}]} {
    %mul3A = arith.constant 2 : i32
    %mul3A_0 = arith.muli %arg1, %mul3A : i32
    %add3A = arith.addi %mul3A_0, %arg0 : i32
    %rem3A = arith.constant 16 : i32
    %rem3A_1 = arith.remsi %add3A, %rem3A : i32
    "tpu.region"() ({
      %run_scoped3A = tpu.sem_alloc : memref<!tpu.dma_semaphore, #tpu.memory_space<semaphore_mem>>
      %dma_start3A = arith.constant 0 : i32
      %dma_start3A_23 = tpu.memref_slice %arg5[%rem3A_1, %dma_start3A] : memref<16x4096xi32, #tpu.memory_space<hbm>> -> memref<1x4096xi32, #tpu.memory_space<hbm>>
      %dma_start3A_24 = tpu.memref_squeeze %dma_start3A_23 : memref<1x4096xi32, #tpu.memory_space<hbm>> -> memref<4096xi32, #tpu.memory_space<hbm>>
      %dma_start3A_25 = arith.constant 0 : i32
      %dma_start3A_26 = tpu.memref_slice %arg5[%rem3A_1, %dma_start3A_25] : memref<16x4096xi32, #tpu.memory_space<hbm>> -> memref<1x4096xi32, #tpu.memory_space<hbm>>
      %dma_start3A_27 = tpu.memref_squeeze %dma_start3A_26 : memref<1x4096xi32, #tpu.memory_space<hbm>> -> memref<4096xi32, #tpu.memory_space<hbm>>
      tpu.enqueue_dma source(%dma_start3A_27 : memref<4096xi32, #tpu.memory_space<hbm>>) target(%arg13 : memref<4096xi32, #tpu.memory_space<vmem>>) target_semaphore(%run_scoped3A : memref<!tpu.dma_semaphore, #tpu.memory_space<semaphore_mem>>)
      %dma_wait3A = arith.constant 0 : i32
      %dma_wait3A_28 = tpu.memref_slice %arg5[%rem3A_1, %dma_wait3A] : memref<16x4096xi32, #tpu.memory_space<hbm>> -> memref<1x4096xi32, #tpu.memory_space<hbm>>
      %dma_wait3A_29 = tpu.memref_squeeze %dma_wait3A_28 : memref<1x4096xi32, #tpu.memory_space<hbm>> -> memref<4096xi32, #tpu.memory_space<hbm>>
      %dma_wait3A_30 = arith.constant 0 : i32
      %dma_wait3A_31 = tpu.memref_slice %arg5[%rem3A_1, %dma_wait3A_30] : memref<16x4096xi32, #tpu.memory_space<hbm>> -> memref<1x4096xi32, #tpu.memory_space<hbm>>
      %dma_wait3A_32 = tpu.memref_squeeze %dma_wait3A_31 : memref<1x4096xi32, #tpu.memory_space<hbm>> -> memref<4096xi32, #tpu.memory_space<hbm>>
      tpu.wait_dma2 semaphore(%run_scoped3A : memref<!tpu.dma_semaphore, #tpu.memory_space<semaphore_mem>>) src(%dma_wait3A_32 : memref<4096xi32, #tpu.memory_space<hbm>>) dst(%arg13 : memref<4096xi32, #tpu.memory_space<vmem>>)
      tpu.yield
    }) : () -> ()
    %lt3A = arith.constant 16 : i32
    %lt3A_2 = arith.cmpi slt, %add3A, %lt3A : i32
    %convert_element_type3A = arith.extui %lt3A_2 : i1 to i32
    %cond3A = arith.constant 0 : i32
    %cond3A_3 = arith.cmpi ne, %convert_element_type3A, %cond3A : i32
    scf.if %cond3A_3 {
      "tpu.region"() ({
        %run_scoped3A = tpu.sem_alloc : memref<!tpu.dma_semaphore, #tpu.memory_space<semaphore_mem>>
        %dma_start3A = arith.constant 0 : i32
        %dma_start3A_23 = tpu.memref_slice %arg3[%rem3A_1, %dma_start3A] : memref<16x4096xf32, #tpu.memory_space<hbm>> -> memref<1x4096xf32, #tpu.memory_space<hbm>>
        %dma_start3A_24 = tpu.memref_squeeze %dma_start3A_23 : memref<1x4096xf32, #tpu.memory_space<hbm>> -> memref<4096xf32, #tpu.memory_space<hbm>>
        %dma_start3A_25 = arith.constant 0 : i32
        %dma_start3A_26 = tpu.memref_slice %arg3[%rem3A_1, %dma_start3A_25] : memref<16x4096xf32, #tpu.memory_space<hbm>> -> memref<1x4096xf32, #tpu.memory_space<hbm>>
        %dma_start3A_27 = tpu.memref_squeeze %dma_start3A_26 : memref<1x4096xf32, #tpu.memory_space<hbm>> -> memref<4096xf32, #tpu.memory_space<hbm>>
        tpu.enqueue_dma source(%dma_start3A_27 : memref<4096xf32, #tpu.memory_space<hbm>>) target(%arg9 : memref<4096xf32, #tpu.memory_space<vmem>>) target_semaphore(%run_scoped3A : memref<!tpu.dma_semaphore, #tpu.memory_space<semaphore_mem>>)
        %dma_wait3A = arith.constant 0 : i32
        %dma_wait3A_28 = tpu.memref_slice %arg3[%rem3A_1, %dma_wait3A] : memref<16x4096xf32, #tpu.memory_space<hbm>> -> memref<1x4096xf32, #tpu.memory_space<hbm>>
        %dma_wait3A_29 = tpu.memref_squeeze %dma_wait3A_28 : memref<1x4096xf32, #tpu.memory_space<hbm>> -> memref<4096xf32, #tpu.memory_space<hbm>>
        %dma_wait3A_30 = arith.constant 0 : i32
        %dma_wait3A_31 = tpu.memref_slice %arg3[%rem3A_1, %dma_wait3A_30] : memref<16x4096xf32, #tpu.memory_space<hbm>> -> memref<1x4096xf32, #tpu.memory_space<hbm>>
        %dma_wait3A_32 = tpu.memref_squeeze %dma_wait3A_31 : memref<1x4096xf32, #tpu.memory_space<hbm>> -> memref<4096xf32, #tpu.memory_space<hbm>>
        tpu.wait_dma2 semaphore(%run_scoped3A : memref<!tpu.dma_semaphore, #tpu.memory_space<semaphore_mem>>) src(%dma_wait3A_32 : memref<4096xf32, #tpu.memory_space<hbm>>) dst(%arg9 : memref<4096xf32, #tpu.memory_space<vmem>>)
        tpu.yield
      }) : () -> ()
    } else {
    }
    %ge3A = arith.constant 16 : i32
    %ge3A_4 = arith.cmpi sge, %add3A, %ge3A : i32
    %convert_element_type3A_5 = arith.extui %ge3A_4 : i1 to i32
    %cond3A_6 = arith.constant 0 : i32
    %cond3A_7 = arith.cmpi ne, %convert_element_type3A_5, %cond3A_6 : i32
    scf.if %cond3A_7 {
      "tpu.region"() ({
        %run_scoped3A = tpu.sem_alloc : memref<!tpu.dma_semaphore, #tpu.memory_space<semaphore_mem>>
        %dma_start3A = arith.constant 0 : i32
        %dma_start3A_23 = tpu.memref_slice %arg4[%rem3A_1, %dma_start3A] : memref<16x4096xf32, #tpu.memory_space<hbm>> -> memref<1x4096xf32, #tpu.memory_space<hbm>>
        %dma_start3A_24 = tpu.memref_squeeze %dma_start3A_23 : memref<1x4096xf32, #tpu.memory_space<hbm>> -> memref<4096xf32, #tpu.memory_space<hbm>>
        %dma_start3A_25 = arith.constant 0 : i32
        %dma_start3A_26 = tpu.memref_slice %arg4[%rem3A_1, %dma_start3A_25] : memref<16x4096xf32, #tpu.memory_space<hbm>> -> memref<1x4096xf32, #tpu.memory_space<hbm>>
        %dma_start3A_27 = tpu.memref_squeeze %dma_start3A_26 : memref<1x4096xf32, #tpu.memory_space<hbm>> -> memref<4096xf32, #tpu.memory_space<hbm>>
        tpu.enqueue_dma source(%dma_start3A_27 : memref<4096xf32, #tpu.memory_space<hbm>>) target(%arg9 : memref<4096xf32, #tpu.memory_space<vmem>>) target_semaphore(%run_scoped3A : memref<!tpu.dma_semaphore, #tpu.memory_space<semaphore_mem>>)
        %dma_wait3A = arith.constant 0 : i32
        %dma_wait3A_28 = tpu.memref_slice %arg4[%rem3A_1, %dma_wait3A] : memref<16x4096xf32, #tpu.memory_space<hbm>> -> memref<1x4096xf32, #tpu.memory_space<hbm>>
        %dma_wait3A_29 = tpu.memref_squeeze %dma_wait3A_28 : memref<1x4096xf32, #tpu.memory_space<hbm>> -> memref<4096xf32, #tpu.memory_space<hbm>>
        %dma_wait3A_30 = arith.constant 0 : i32
        %dma_wait3A_31 = tpu.memref_slice %arg4[%rem3A_1, %dma_wait3A_30] : memref<16x4096xf32, #tpu.memory_space<hbm>> -> memref<1x4096xf32, #tpu.memory_space<hbm>>
        %dma_wait3A_32 = tpu.memref_squeeze %dma_wait3A_31 : memref<1x4096xf32, #tpu.memory_space<hbm>> -> memref<4096xf32, #tpu.memory_space<hbm>>
        tpu.wait_dma2 semaphore(%run_scoped3A : memref<!tpu.dma_semaphore, #tpu.memory_space<semaphore_mem>>) src(%dma_wait3A_32 : memref<4096xf32, #tpu.memory_space<hbm>>) dst(%arg9 : memref<4096xf32, #tpu.memory_space<vmem>>)
        tpu.yield
      }) : () -> ()
    } else {
    }
    %scan3A = arith.constant 0 : i32
    %scan3A_8 = arith.constant 0 : i32
    %scan3A_9 = arith.constant 256 : i32
    %scan3A_10 = arith.addi %scan3A_8, %scan3A_9 : i32
    %scan3A_11 = arith.constant 1 : i32
    scf.for %scan3A_23 = %scan3A_8 to %scan3A_10 step %scan3A_11  : i32 {
      %mul3A_24 = arith.constant 16 : i32
      %mul3A_25 = arith.muli %scan3A_23, %mul3A_24 : i32
      %get3A = arith.index_cast %mul3A_25 : i32 to index
      %get3A_26 = tpu.vector_load %arg13[%get3A] {strides = array<i32>} : memref<4096xi32, #tpu.memory_space<vmem>>, vector<16xi32>,
      %get3A_27 = arith.index_cast %mul3A_25 : i32 to index
      %get3A_28 = tpu.vector_load %arg9[%get3A_27] {strides = array<i32>} : memref<4096xf32, #tpu.memory_space<vmem>>, vector<16xf32>,
      tpu.vector_store_idx %arg11[%get3A_26], %get3A_28 : memref<4096xf32, #tpu.memory_space<vmem>>[vector<16xi32>], vector<16xf32>,
    }
    %scan3A_12 = arith.constant 256 : i32
    %lt3A_13 = arith.constant 16 : i32
    %lt3A_14 = arith.cmpi slt, %add3A, %lt3A_13 : i32
    %convert_element_type3A_15 = arith.extui %lt3A_14 : i1 to i32
    %cond3A_16 = arith.constant 0 : i32
    %cond3A_17 = arith.cmpi ne, %convert_element_type3A_15, %cond3A_16 : i32
    scf.if %cond3A_17 {
      "tpu.region"() ({
        %run_scoped3A = tpu.sem_alloc : memref<!tpu.dma_semaphore, #tpu.memory_space<semaphore_mem>>
        %dma_start3A = arith.constant 0 : i32
        %dma_start3A_29 = tpu.memref_slice %arg7[%rem3A_1, %dma_start3A] : memref<16x4096xf32, #tpu.memory_space<hbm>> -> memref<1x4096xf32, #tpu.memory_space<hbm>>
        %dma_start3A_30 = tpu.memref_squeeze %dma_start3A_29 : memref<1x4096xf32, #tpu.memory_space<hbm>> -> memref<4096xf32, #tpu.memory_space<hbm>>
        %dma_start3A_31 = arith.constant 0 : i32
        %dma_start3A_32 = tpu.memref_slice %arg7[%rem3A_1, %dma_start3A_31] : memref<16x4096xf32, #tpu.memory_space<hbm>> -> memref<1x4096xf32, #tpu.memory_space<hbm>>
        %dma_start3A_33 = tpu.memref_squeeze %dma_start3A_32 : memref<1x4096xf32, #tpu.memory_space<hbm>> -> memref<4096xf32, #tpu.memory_space<hbm>>
        tpu.enqueue_dma source(%arg11 : memref<4096xf32, #tpu.memory_space<vmem>>) target(%dma_start3A_33 : memref<4096xf32, #tpu.memory_space<hbm>>) target_semaphore(%run_scoped3A : memref<!tpu.dma_semaphore, #tpu.memory_space<semaphore_mem>>)
        %dma_wait3A = arith.constant 0 : i32
        %dma_wait3A_34 = tpu.memref_slice %arg7[%rem3A_1, %dma_wait3A] : memref<16x4096xf32, #tpu.memory_space<hbm>> -> memref<1x4096xf32, #tpu.memory_space<hbm>>
        %dma_wait3A_35 = tpu.memref_squeeze %dma_wait3A_34 : memref<1x4096xf32, #tpu.memory_space<hbm>> -> memref<4096xf32, #tpu.memory_space<hbm>>
        %dma_wait3A_36 = arith.constant 0 : i32
        %dma_wait3A_37 = tpu.memref_slice %arg7[%rem3A_1, %dma_wait3A_36] : memref<16x4096xf32, #tpu.memory_space<hbm>> -> memref<1x4096xf32, #tpu.memory_space<hbm>>
        %dma_wait3A_38 = tpu.memref_squeeze %dma_wait3A_37 : memref<1x4096xf32, #tpu.memory_space<hbm>> -> memref<4096xf32, #tpu.memory_space<hbm>>
        tpu.wait_dma2 semaphore(%run_scoped3A : memref<!tpu.dma_semaphore, #tpu.memory_space<semaphore_mem>>) src(%arg11 : memref<4096xf32, #tpu.memory_space<vmem>>) dst(%dma_wait3A_38 : memref<4096xf32, #tpu.memory_space<hbm>>)
        tpu.yield
      }) : () -> ()
      "tpu.region"() ({
        %run_scoped3A = tpu.sem_alloc : memref<!tpu.dma_semaphore, #tpu.memory_space<semaphore_mem>>
        %dma_start3A = arith.constant 0 : i32
        %dma_start3A_29 = tpu.memref_slice %arg2[%rem3A_1, %dma_start3A] : memref<16x4096xi32, #tpu.memory_space<hbm>> -> memref<1x4096xi32, #tpu.memory_space<hbm>>
        %dma_start3A_30 = tpu.memref_squeeze %dma_start3A_29 : memref<1x4096xi32, #tpu.memory_space<hbm>> -> memref<4096xi32, #tpu.memory_space<hbm>>
        %dma_start3A_31 = arith.constant 0 : i32
        %dma_start3A_32 = tpu.memref_slice %arg2[%rem3A_1, %dma_start3A_31] : memref<16x4096xi32, #tpu.memory_space<hbm>> -> memref<1x4096xi32, #tpu.memory_space<hbm>>
        %dma_start3A_33 = tpu.memref_squeeze %dma_start3A_32 : memref<1x4096xi32, #tpu.memory_space<hbm>> -> memref<4096xi32, #tpu.memory_space<hbm>>
        tpu.enqueue_dma source(%dma_start3A_33 : memref<4096xi32, #tpu.memory_space<hbm>>) target(%arg10 : memref<4096xi32, #tpu.memory_space<vmem>>) target_semaphore(%run_scoped3A : memref<!tpu.dma_semaphore, #tpu.memory_space<semaphore_mem>>)
        %dma_wait3A = arith.constant 0 : i32
        %dma_wait3A_34 = tpu.memref_slice %arg2[%rem3A_1, %dma_wait3A] : memref<16x4096xi32, #tpu.memory_space<hbm>> -> memref<1x4096xi32, #tpu.memory_space<hbm>>
        %dma_wait3A_35 = tpu.memref_squeeze %dma_wait3A_34 : memref<1x4096xi32, #tpu.memory_space<hbm>> -> memref<4096xi32, #tpu.memory_space<hbm>>
        %dma_wait3A_36 = arith.constant 0 : i32
        %dma_wait3A_37 = tpu.memref_slice %arg2[%rem3A_1, %dma_wait3A_36] : memref<16x4096xi32, #tpu.memory_space<hbm>> -> memref<1x4096xi32, #tpu.memory_space<hbm>>
        %dma_wait3A_38 = tpu.memref_squeeze %dma_wait3A_37 : memref<1x4096xi32, #tpu.memory_space<hbm>> -> memref<4096xi32, #tpu.memory_space<hbm>>
        tpu.wait_dma2 semaphore(%run_scoped3A : memref<!tpu.dma_semaphore, #tpu.memory_space<semaphore_mem>>) src(%dma_wait3A_38 : memref<4096xi32, #tpu.memory_space<hbm>>) dst(%arg10 : memref<4096xi32, #tpu.memory_space<vmem>>)
        tpu.yield
      }) : () -> ()
      %scan3A_23 = arith.constant 0 : i32
      %scan3A_24 = arith.constant 0 : i32
      %scan3A_25 = arith.constant 256 : i32
      %scan3A_26 = arith.addi %scan3A_24, %scan3A_25 : i32
      %scan3A_27 = arith.constant 1 : i32
      scf.for %scan3A_29 = %scan3A_24 to %scan3A_26 step %scan3A_27  : i32 {
        %mul3A_30 = arith.constant 16 : i32
        %mul3A_31 = arith.muli %scan3A_29, %mul3A_30 : i32
        %get3A = arith.index_cast %mul3A_31 : i32 to index
        %get3A_32 = tpu.vector_load %arg13[%get3A] {strides = array<i32>} : memref<4096xi32, #tpu.memory_space<vmem>>, vector<16xi32>,
        %get3A_33 = arith.index_cast %mul3A_31 : i32 to index
        %get3A_34 = tpu.vector_load %arg10[%get3A_33] {strides = array<i32>} : memref<4096xi32, #tpu.memory_space<vmem>>, vector<16xi32>,
        tpu.vector_store_idx %arg12[%get3A_32], %get3A_34 : memref<4096xi32, #tpu.memory_space<vmem>>[vector<16xi32>], vector<16xi32>,
      }
      %scan3A_28 = arith.constant 256 : i32
      "tpu.region"() ({
        %run_scoped3A = tpu.sem_alloc : memref<!tpu.dma_semaphore, #tpu.memory_space<semaphore_mem>>
        %dma_start3A = arith.constant 0 : i32
        %dma_start3A_29 = tpu.memref_slice %arg6[%rem3A_1, %dma_start3A] : memref<16x4096xi32, #tpu.memory_space<hbm>> -> memref<1x4096xi32, #tpu.memory_space<hbm>>
        %dma_start3A_30 = tpu.memref_squeeze %dma_start3A_29 : memref<1x4096xi32, #tpu.memory_space<hbm>> -> memref<4096xi32, #tpu.memory_space<hbm>>
        %dma_start3A_31 = arith.constant 0 : i32
        %dma_start3A_32 = tpu.memref_slice %arg6[%rem3A_1, %dma_start3A_31] : memref<16x4096xi32, #tpu.memory_space<hbm>> -> memref<1x4096xi32, #tpu.memory_space<hbm>>
        %dma_start3A_33 = tpu.memref_squeeze %dma_start3A_32 : memref<1x4096xi32, #tpu.memory_space<hbm>> -> memref<4096xi32, #tpu.memory_space<hbm>>
        tpu.enqueue_dma source(%arg12 : memref<4096xi32, #tpu.memory_space<vmem>>) target(%dma_start3A_33 : memref<4096xi32, #tpu.memory_space<hbm>>) target_semaphore(%run_scoped3A : memref<!tpu.dma_semaphore, #tpu.memory_space<semaphore_mem>>)
        %dma_wait3A = arith.constant 0 : i32
        %dma_wait3A_34 = tpu.memref_slice %arg6[%rem3A_1, %dma_wait3A] : memref<16x4096xi32, #tpu.memory_space<hbm>> -> memref<1x4096xi32, #tpu.memory_space<hbm>>
        %dma_wait3A_35 = tpu.memref_squeeze %dma_wait3A_34 : memref<1x4096xi32, #tpu.memory_space<hbm>> -> memref<4096xi32, #tpu.memory_space<hbm>>
        %dma_wait3A_36 = arith.constant 0 : i32
        %dma_wait3A_37 = tpu.memref_slice %arg6[%rem3A_1, %dma_wait3A_36] : memref<16x4096xi32, #tpu.memory_space<hbm>> -> memref<1x4096xi32, #tpu.memory_space<hbm>>
        %dma_wait3A_38 = tpu.memref_squeeze %dma_wait3A_37 : memref<1x4096xi32, #tpu.memory_space<hbm>> -> memref<4096xi32, #tpu.memory_space<hbm>>
        tpu.wait_dma2 semaphore(%run_scoped3A : memref<!tpu.dma_semaphore, #tpu.memory_space<semaphore_mem>>) src(%arg12 : memref<4096xi32, #tpu.memory_space<vmem>>) dst(%dma_wait3A_38 : memref<4096xi32, #tpu.memory_space<hbm>>)
        tpu.yield
      }) : () -> ()
    } else {
    }
    %ge3A_18 = arith.constant 16 : i32
    %ge3A_19 = arith.cmpi sge, %add3A, %ge3A_18 : i32
    %convert_element_type3A_20 = arith.extui %ge3A_19 : i1 to i32
    %cond3A_21 = arith.constant 0 : i32
    %cond3A_22 = arith.cmpi ne, %convert_element_type3A_20, %cond3A_21 : i32
    scf.if %cond3A_22 {
      "tpu.region"() ({
        %run_scoped3A = tpu.sem_alloc : memref<!tpu.dma_semaphore, #tpu.memory_space<semaphore_mem>>
        %dma_start3A = arith.constant 0 : i32
        %dma_start3A_23 = tpu.memref_slice %arg8[%rem3A_1, %dma_start3A] : memref<16x4096xf32, #tpu.memory_space<hbm>> -> memref<1x4096xf32, #tpu.memory_space<hbm>>
        %dma_start3A_24 = tpu.memref_squeeze %dma_start3A_23 : memref<1x4096xf32, #tpu.memory_space<hbm>> -> memref<4096xf32, #tpu.memory_space<hbm>>
        %dma_start3A_25 = arith.constant 0 : i32
        %dma_start3A_26 = tpu.memref_slice %arg8[%rem3A_1, %dma_start3A_25] : memref<16x4096xf32, #tpu.memory_space<hbm>> -> memref<1x4096xf32, #tpu.memory_space<hbm>>
        %dma_start3A_27 = tpu.memref_squeeze %dma_start3A_26 : memref<1x4096xf32, #tpu.memory_space<hbm>> -> memref<4096xf32, #tpu.memory_space<hbm>>
        tpu.enqueue_dma source(%arg11 : memref<4096xf32, #tpu.memory_space<vmem>>) target(%dma_start3A_27 : memref<4096xf32, #tpu.memory_space<hbm>>) target_semaphore(%run_scoped3A : memref<!tpu.dma_semaphore, #tpu.memory_space<semaphore_mem>>)
        %dma_wait3A = arith.constant 0 : i32
        %dma_wait3A_28 = tpu.memref_slice %arg8[%rem3A_1, %dma_wait3A] : memref<16x4096xf32, #tpu.memory_space<hbm>> -> memref<1x4096xf32, #tpu.memory_space<hbm>>
        %dma_wait3A_29 = tpu.memref_squeeze %dma_wait3A_28 : memref<1x4096xf32, #tpu.memory_space<hbm>> -> memref<4096xf32, #tpu.memory_space<hbm>>
        %dma_wait3A_30 = arith.constant 0 : i32
        %dma_wait3A_31 = tpu.memref_slice %arg8[%rem3A_1, %dma_wait3A_30] : memref<16x4096xf32, #tpu.memory_space<hbm>> -> memref<1x4096xf32, #tpu.memory_space<hbm>>
        %dma_wait3A_32 = tpu.memref_squeeze %dma_wait3A_31 : memref<1x4096xf32, #tpu.memory_space<hbm>> -> memref<4096xf32, #tpu.memory_space<hbm>>
        tpu.wait_dma2 semaphore(%run_scoped3A : memref<!tpu.dma_semaphore, #tpu.memory_space<semaphore_mem>>) src(%arg11 : memref<4096xf32, #tpu.memory_space<vmem>>) dst(%dma_wait3A_32 : memref<4096xf32, #tpu.memory_space<hbm>>)
        tpu.yield
      }) : () -> ()
    } else {
    }
    return
  }
}

module attributes {stable_mosaic.version = 14 : i64} {
  func.func @_rnn_body(%arg0: memref<128x256xf32, #tpu.memory_space<vmem>>, %arg1: memref<256x512xf32, #tpu.memory_space<vmem>>, %arg2: memref<512x512xf32, #tpu.memory_space<vmem>>, %arg3: memref<512x128xf32, #tpu.memory_space<vmem>>, %arg4: memref<128x512xi32, #tpu.memory_space<vmem>>, %arg5: memref<128x512xf32, #tpu.memory_space<vmem>>, %arg6: memref<128x512xf32, #tpu.memory_space<vmem>>, %arg7: memref<128x512xi32, #tpu.memory_space<vmem>>, %arg8: memref<512x128xi32, #tpu.memory_space<vmem>>, %arg9: memref<512x128xf32, #tpu.memory_space<vmem>>, %arg10: memref<512x128xf32, #tpu.memory_space<vmem>>) attributes {dimension_semantics = [], scalar_prefetch = 0 : i64, scratch_operands = 3 : i64, tpu.core_type = #tpu.core_type<tc>} {
    %get3A = arith.constant 0 : index
    %get3A_0 = arith.constant 0 : index
    %get3A_1 = vector.load %arg1[%get3A, %get3A_0] : memref<256x512xf32, #tpu.memory_space<vmem>>, vector<256x512xf32>
    %get3A_2 = arith.constant 0 : index
    %get3A_3 = arith.constant 0 : index
    %get3A_4 = vector.load %arg0[%get3A_2, %get3A_3] : memref<128x256xf32, #tpu.memory_space<vmem>>, vector<128x256xf32>
    %dot_general3A = arith.constant dense<0.000000e+00> : vector<512x128xf32>
    %dot_general3A_5 = tpu.matmul %get3A_1, %get3A_4, %dot_general3A {dimension_numbers = #tpu.dot_dimension_numbers<[0], [1], [1], [0], [0, 1, 1, 0], [], []>, transpose_lhs_hint = false} : vector<256x512xf32>, vector<128x256xf32>, vector<512x128xf32> -> vector<512x128xf32>
    %tanh3A = math.tanh %dot_general3A_5 : vector<512x128xf32>
    %get3A_6 = arith.constant 0 : index
    %get3A_7 = arith.constant 0 : index
    %get3A_8 = vector.load %arg2[%get3A_6, %get3A_7] : memref<512x512xf32, #tpu.memory_space<vmem>>, vector<512x512xf32>
    %get3A_9 = arith.constant 0 : index
    %get3A_10 = arith.constant 0 : index
    %get3A_11 = vector.load %arg3[%get3A_9, %get3A_10] : memref<512x128xf32, #tpu.memory_space<vmem>>, vector<512x128xf32>
    %iota3A = tpu.iota {dimensions = array<i32: 0>} : vector<128x128xi32>
    %scan3A = arith.constant 0 : i32
    %scan3A_12 = arith.constant 512 : i32
    %scan3A_13 = arith.addi %scan3A, %scan3A_12 : i32
    %scan3A_14 = arith.constant 32 : i32
    %scan3A_15 = scf.for %scan3A_165 = %scan3A to %scan3A_13 step %scan3A_14 iter_args(%scan3A_166 = %tanh3A) -> (vector<512x128xf32>)  : i32 {
      %dot_general3A_167 = arith.constant dense<0.000000e+00> : vector<512x128xf32>
      %dot_general3A_168 = tpu.matmul %get3A_8, %scan3A_166, %dot_general3A_167 {dimension_numbers = #tpu.dot_dimension_numbers<[0], [0], [1], [1], [0, 1, 1, 1], [], []>, transpose_lhs_hint = false} : vector<512x512xf32>, vector<512x128xf32>, vector<512x128xf32> -> vector<512x128xf32>
      %tanh3A_169 = math.tanh %dot_general3A_168 : vector<512x128xf32>
      %dot_general3A_170 = arith.constant dense<0.000000e+00> : vector<128x128xf32>
      %dot_general3A_171 = tpu.matmul %get3A_11, %tanh3A_169, %dot_general3A_170 {dimension_numbers = #tpu.dot_dimension_numbers<[0], [0], [1], [1], [0, 1, 1, 1], [], []>, transpose_lhs_hint = false} : vector<512x128xf32>, vector<512x128xf32>, vector<128x128xf32> -> vector<128x128xf32>
      %reduce_max3A = arith.constant dense<0xFF800000> : vector<128xf32>
      %reduce_max3A_172 = vector.multi_reduction <maximumf>, %dot_general3A_171, %reduce_max3A [0] : vector<128x128xf32> to vector<128xf32>
      %broadcast_in_dim3A_173 = vector.shape_cast %reduce_max3A_172 : vector<128xf32> to vector<1x128xf32>
      %sub3A_174 = vector.broadcast %broadcast_in_dim3A_173 : vector<1x128xf32> to vector<128x128xf32>
      %sub3A_175 = arith.subf %dot_general3A_171, %sub3A_174 : vector<128x128xf32>
      %exp3A = math.exp %sub3A_175 : vector<128x128xf32>
      %reduce_sum3A = arith.constant dense<0.000000e+00> : vector<128xf32>
      %reduce_sum3A_176 = vector.multi_reduction <add>, %exp3A, %reduce_sum3A [0] : vector<128x128xf32> to vector<128xf32>
      %broadcast_in_dim3A_177 = vector.shape_cast %reduce_sum3A_176 : vector<128xf32> to vector<1x128xf32>
      %eq3A_178 = vector.broadcast %broadcast_in_dim3A_173 : vector<1x128xf32> to vector<128x128xf32>
      %eq3A_179 = arith.cmpf oeq, %dot_general3A_171, %eq3A_178 : vector<128x128xf32>
      %jit3A_180 = arith.constant 128 : i32
      %broadcast_in_dim3A_181 = vector.broadcast %jit3A_180 : i32 to vector<128x128xi32>
      %select_n3A_182 = arith.select %eq3A_179, %iota3A, %broadcast_in_dim3A_181 : vector<128x128xi1>, vector<128x128xi32>
      %reduce_min3A_183 = arith.constant dense<2147483647> : vector<128xi32>
      %reduce_min3A_184 = vector.multi_reduction <minsi>, %select_n3A_182, %reduce_min3A_183 [0] : vector<128x128xi32> to vector<128xi32>
      %broadcast_in_dim3A_185 = vector.shape_cast %reduce_min3A_184 : vector<128xi32> to vector<1x128xi32>
      %log3A = math.log %broadcast_in_dim3A_177 : vector<1x128xf32>
      %neg3A = arith.constant 0.000000e+00 : f32
      %neg3A_186 = vector.broadcast %neg3A : f32 to vector<1x128xf32>
      %neg3A_187 = arith.subf %neg3A_186, %log3A : vector<1x128xf32>
      %mul3A_188 = arith.mulf %exp3A, %sub3A_175 : vector<128x128xf32>
      %reduce_sum3A_189 = arith.constant dense<0.000000e+00> : vector<128xf32>
      %reduce_sum3A_190 = vector.multi_reduction <add>, %mul3A_188, %reduce_sum3A_189 [0] : vector<128x128xf32> to vector<128xf32>
      %broadcast_in_dim3A_191 = vector.shape_cast %reduce_sum3A_190 : vector<128xf32> to vector<1x128xf32>
      %div3A_192 = arith.divf %broadcast_in_dim3A_191, %broadcast_in_dim3A_177 : vector<1x128xf32>
      %sub3A_193 = arith.subf %log3A, %div3A_192 : vector<1x128xf32>
      %swap3A_194 = arith.index_cast %scan3A_165 : i32 to index
      %swap3A_195 = arith.constant 0 : index
      %swap3A_196 = vector.load %arg8[%swap3A_194, %swap3A_195] : memref<512x128xi32, #tpu.memory_space<vmem>>, vector<1x128xi32>
      tpu.vector_store %arg8[%swap3A_194, %swap3A_195], %broadcast_in_dim3A_185 {strides = array<i32>} : memref<512x128xi32, #tpu.memory_space<vmem>>, vector<1x128xi32>,
      %swap3A_197 = arith.index_cast %scan3A_165 : i32 to index
      %swap3A_198 = arith.constant 0 : index
      %swap3A_199 = vector.load %arg9[%swap3A_197, %swap3A_198] : memref<512x128xf32, #tpu.memory_space<vmem>>, vector<1x128xf32>
      tpu.vector_store %arg9[%swap3A_197, %swap3A_198], %neg3A_187 {strides = array<i32>} : memref<512x128xf32, #tpu.memory_space<vmem>>, vector<1x128xf32>,
      %swap3A_200 = arith.index_cast %scan3A_165 : i32 to index
      %swap3A_201 = arith.constant 0 : index
      %swap3A_202 = vector.load %arg10[%swap3A_200, %swap3A_201] : memref<512x128xf32, #tpu.memory_space<vmem>>, vector<1x128xf32>
      tpu.vector_store %arg10[%swap3A_200, %swap3A_201], %sub3A_193 {strides = array<i32>} : memref<512x128xf32, #tpu.memory_space<vmem>>, vector<1x128xf32>,
      %scan3A_203 = arith.constant 1 : i32
      %scan3A_204 = arith.addi %scan3A_165, %scan3A_203 : i32
      %dot_general3A_205 = arith.constant dense<0.000000e+00> : vector<512x128xf32>
      %dot_general3A_206 = tpu.matmul %get3A_8, %tanh3A_169, %dot_general3A_205 {dimension_numbers = #tpu.dot_dimension_numbers<[0], [0], [1], [1], [0, 1, 1, 1], [], []>, transpose_lhs_hint = false} : vector<512x512xf32>, vector<512x128xf32>, vector<512x128xf32> -> vector<512x128xf32>
      %tanh3A_207 = math.tanh %dot_general3A_206 : vector<512x128xf32>
      %dot_general3A_208 = arith.constant dense<0.000000e+00> : vector<128x128xf32>
      %dot_general3A_209 = tpu.matmul %get3A_11, %tanh3A_207, %dot_general3A_208 {dimension_numbers = #tpu.dot_dimension_numbers<[0], [0], [1], [1], [0, 1, 1, 1], [], []>, transpose_lhs_hint = false} : vector<512x128xf32>, vector<512x128xf32>, vector<128x128xf32> -> vector<128x128xf32>
      %reduce_max3A_210 = arith.constant dense<0xFF800000> : vector<128xf32>
      %reduce_max3A_211 = vector.multi_reduction <maximumf>, %dot_general3A_209, %reduce_max3A_210 [0] : vector<128x128xf32> to vector<128xf32>
      %broadcast_in_dim3A_212 = vector.shape_cast %reduce_max3A_211 : vector<128xf32> to vector<1x128xf32>
      %sub3A_213 = vector.broadcast %broadcast_in_dim3A_212 : vector<1x128xf32> to vector<128x128xf32>
      %sub3A_214 = arith.subf %dot_general3A_209, %sub3A_213 : vector<128x128xf32>
      %exp3A_215 = math.exp %sub3A_214 : vector<128x128xf32>
      %reduce_sum3A_216 = arith.constant dense<0.000000e+00> : vector<128xf32>
      %reduce_sum3A_217 = vector.multi_reduction <add>, %exp3A_215, %reduce_sum3A_216 [0] : vector<128x128xf32> to vector<128xf32>
      %broadcast_in_dim3A_218 = vector.shape_cast %reduce_sum3A_217 : vector<128xf32> to vector<1x128xf32>
      %eq3A_219 = vector.broadcast %broadcast_in_dim3A_212 : vector<1x128xf32> to vector<128x128xf32>
      %eq3A_220 = arith.cmpf oeq, %dot_general3A_209, %eq3A_219 : vector<128x128xf32>
      %jit3A_221 = arith.constant 128 : i32
      %broadcast_in_dim3A_222 = vector.broadcast %jit3A_221 : i32 to vector<128x128xi32>
      %select_n3A_223 = arith.select %eq3A_220, %iota3A, %broadcast_in_dim3A_222 : vector<128x128xi1>, vector<128x128xi32>
      %reduce_min3A_224 = arith.constant dense<2147483647> : vector<128xi32>
      %reduce_min3A_225 = vector.multi_reduction <minsi>, %select_n3A_223, %reduce_min3A_224 [0] : vector<128x128xi32> to vector<128xi32>
      %broadcast_in_dim3A_226 = vector.shape_cast %reduce_min3A_225 : vector<128xi32> to vector<1x128xi32>
      %log3A_227 = math.log %broadcast_in_dim3A_218 : vector<1x128xf32>
      %neg3A_228 = arith.constant 0.000000e+00 : f32
      %neg3A_229 = vector.broadcast %neg3A_228 : f32 to vector<1x128xf32>
      %neg3A_230 = arith.subf %neg3A_229, %log3A_227 : vector<1x128xf32>
      %mul3A_231 = arith.mulf %exp3A_215, %sub3A_214 : vector<128x128xf32>
      %reduce_sum3A_232 = arith.constant dense<0.000000e+00> : vector<128xf32>
      %reduce_sum3A_233 = vector.multi_reduction <add>, %mul3A_231, %reduce_sum3A_232 [0] : vector<128x128xf32> to vector<128xf32>
      %broadcast_in_dim3A_234 = vector.shape_cast %reduce_sum3A_233 : vector<128xf32> to vector<1x128xf32>
      %div3A_235 = arith.divf %broadcast_in_dim3A_234, %broadcast_in_dim3A_218 : vector<1x128xf32>
      %sub3A_236 = arith.subf %log3A_227, %div3A_235 : vector<1x128xf32>
      %swap3A_237 = arith.index_cast %scan3A_204 : i32 to index
      %swap3A_238 = arith.constant 0 : index
      %swap3A_239 = vector.load %arg8[%swap3A_237, %swap3A_238] : memref<512x128xi32, #tpu.memory_space<vmem>>, vector<1x128xi32>
      tpu.vector_store %arg8[%swap3A_237, %swap3A_238], %broadcast_in_dim3A_226 {strides = array<i32>} : memref<512x128xi32, #tpu.memory_space<vmem>>, vector<1x128xi32>,
      %swap3A_240 = arith.index_cast %scan3A_204 : i32 to index
      %swap3A_241 = arith.constant 0 : index
      %swap3A_242 = vector.load %arg9[%swap3A_240, %swap3A_241] : memref<512x128xf32, #tpu.memory_space<vmem>>, vector<1x128xf32>
      tpu.vector_store %arg9[%swap3A_240, %swap3A_241], %neg3A_230 {strides = array<i32>} : memref<512x128xf32, #tpu.memory_space<vmem>>, vector<1x128xf32>,
      %swap3A_243 = arith.index_cast %scan3A_204 : i32 to index
      %swap3A_244 = arith.constant 0 : index
      %swap3A_245 = vector.load %arg10[%swap3A_243, %swap3A_244] : memref<512x128xf32, #tpu.memory_space<vmem>>, vector<1x128xf32>
      tpu.vector_store %arg10[%swap3A_243, %swap3A_244], %sub3A_236 {strides = array<i32>} : memref<512x128xf32, #tpu.memory_space<vmem>>, vector<1x128xf32>,
      %scan3A_246 = arith.constant 2 : i32
      %scan3A_247 = arith.addi %scan3A_165, %scan3A_246 : i32
      %dot_general3A_248 = arith.constant dense<0.000000e+00> : vector<512x128xf32>
      %dot_general3A_249 = tpu.matmul %get3A_8, %tanh3A_207, %dot_general3A_248 {dimension_numbers = #tpu.dot_dimension_numbers<[0], [0], [1], [1], [0, 1, 1, 1], [], []>, transpose_lhs_hint = false} : vector<512x512xf32>, vector<512x128xf32>, vector<512x128xf32> -> vector<512x128xf32>
      %tanh3A_250 = math.tanh %dot_general3A_249 : vector<512x128xf32>
      %dot_general3A_251 = arith.constant dense<0.000000e+00> : vector<128x128xf32>
      %dot_general3A_252 = tpu.matmul %get3A_11, %tanh3A_250, %dot_general3A_251 {dimension_numbers = #tpu.dot_dimension_numbers<[0], [0], [1], [1], [0, 1, 1, 1], [], []>, transpose_lhs_hint = false} : vector<512x128xf32>, vector<512x128xf32>, vector<128x128xf32> -> vector<128x128xf32>
      %reduce_max3A_253 = arith.constant dense<0xFF800000> : vector<128xf32>
      %reduce_max3A_254 = vector.multi_reduction <maximumf>, %dot_general3A_252, %reduce_max3A_253 [0] : vector<128x128xf32> to vector<128xf32>
      %broadcast_in_dim3A_255 = vector.shape_cast %reduce_max3A_254 : vector<128xf32> to vector<1x128xf32>
      %sub3A_256 = vector.broadcast %broadcast_in_dim3A_255 : vector<1x128xf32> to vector<128x128xf32>
      %sub3A_257 = arith.subf %dot_general3A_252, %sub3A_256 : vector<128x128xf32>
      %exp3A_258 = math.exp %sub3A_257 : vector<128x128xf32>
      %reduce_sum3A_259 = arith.constant dense<0.000000e+00> : vector<128xf32>
      %reduce_sum3A_260 = vector.multi_reduction <add>, %exp3A_258, %reduce_sum3A_259 [0] : vector<128x128xf32> to vector<128xf32>
      %broadcast_in_dim3A_261 = vector.shape_cast %reduce_sum3A_260 : vector<128xf32> to vector<1x128xf32>
      %eq3A_262 = vector.broadcast %broadcast_in_dim3A_255 : vector<1x128xf32> to vector<128x128xf32>
      %eq3A_263 = arith.cmpf oeq, %dot_general3A_252, %eq3A_262 : vector<128x128xf32>
      %jit3A_264 = arith.constant 128 : i32
      %broadcast_in_dim3A_265 = vector.broadcast %jit3A_264 : i32 to vector<128x128xi32>
      %select_n3A_266 = arith.select %eq3A_263, %iota3A, %broadcast_in_dim3A_265 : vector<128x128xi1>, vector<128x128xi32>
      %reduce_min3A_267 = arith.constant dense<2147483647> : vector<128xi32>
      %reduce_min3A_268 = vector.multi_reduction <minsi>, %select_n3A_266, %reduce_min3A_267 [0] : vector<128x128xi32> to vector<128xi32>
      %broadcast_in_dim3A_269 = vector.shape_cast %reduce_min3A_268 : vector<128xi32> to vector<1x128xi32>
      %log3A_270 = math.log %broadcast_in_dim3A_261 : vector<1x128xf32>
      %neg3A_271 = arith.constant 0.000000e+00 : f32
      %neg3A_272 = vector.broadcast %neg3A_271 : f32 to vector<1x128xf32>
      %neg3A_273 = arith.subf %neg3A_272, %log3A_270 : vector<1x128xf32>
      %mul3A_274 = arith.mulf %exp3A_258, %sub3A_257 : vector<128x128xf32>
      %reduce_sum3A_275 = arith.constant dense<0.000000e+00> : vector<128xf32>
      %reduce_sum3A_276 = vector.multi_reduction <add>, %mul3A_274, %reduce_sum3A_275 [0] : vector<128x128xf32> to vector<128xf32>
      %broadcast_in_dim3A_277 = vector.shape_cast %reduce_sum3A_276 : vector<128xf32> to vector<1x128xf32>
      %div3A_278 = arith.divf %broadcast_in_dim3A_277, %broadcast_in_dim3A_261 : vector<1x128xf32>
      %sub3A_279 = arith.subf %log3A_270, %div3A_278 : vector<1x128xf32>
      %swap3A_280 = arith.index_cast %scan3A_247 : i32 to index
      %swap3A_281 = arith.constant 0 : index
      %swap3A_282 = vector.load %arg8[%swap3A_280, %swap3A_281] : memref<512x128xi32, #tpu.memory_space<vmem>>, vector<1x128xi32>
      tpu.vector_store %arg8[%swap3A_280, %swap3A_281], %broadcast_in_dim3A_269 {strides = array<i32>} : memref<512x128xi32, #tpu.memory_space<vmem>>, vector<1x128xi32>,
      %swap3A_283 = arith.index_cast %scan3A_247 : i32 to index
      %swap3A_284 = arith.constant 0 : index
      %swap3A_285 = vector.load %arg9[%swap3A_283, %swap3A_284] : memref<512x128xf32, #tpu.memory_space<vmem>>, vector<1x128xf32>
      tpu.vector_store %arg9[%swap3A_283, %swap3A_284], %neg3A_273 {strides = array<i32>} : memref<512x128xf32, #tpu.memory_space<vmem>>, vector<1x128xf32>,
      %swap3A_286 = arith.index_cast %scan3A_247 : i32 to index
      %swap3A_287 = arith.constant 0 : index
      %swap3A_288 = vector.load %arg10[%swap3A_286, %swap3A_287] : memref<512x128xf32, #tpu.memory_space<vmem>>, vector<1x128xf32>
      tpu.vector_store %arg10[%swap3A_286, %swap3A_287], %sub3A_279 {strides = array<i32>} : memref<512x128xf32, #tpu.memory_space<vmem>>, vector<1x128xf32>,
      %scan3A_289 = arith.constant 3 : i32
      %scan3A_290 = arith.addi %scan3A_165, %scan3A_289 : i32
      %dot_general3A_291 = arith.constant dense<0.000000e+00> : vector<512x128xf32>
      %dot_general3A_292 = tpu.matmul %get3A_8, %tanh3A_250, %dot_general3A_291 {dimension_numbers = #tpu.dot_dimension_numbers<[0], [0], [1], [1], [0, 1, 1, 1], [], []>, transpose_lhs_hint = false} : vector<512x512xf32>, vector<512x128xf32>, vector<512x128xf32> -> vector<512x128xf32>
      %tanh3A_293 = math.tanh %dot_general3A_292 : vector<512x128xf32>
      %dot_general3A_294 = arith.constant dense<0.000000e+00> : vector<128x128xf32>
      %dot_general3A_295 = tpu.matmul %get3A_11, %tanh3A_293, %dot_general3A_294 {dimension_numbers = #tpu.dot_dimension_numbers<[0], [0], [1], [1], [0, 1, 1, 1], [], []>, transpose_lhs_hint = false} : vector<512x128xf32>, vector<512x128xf32>, vector<128x128xf32> -> vector<128x128xf32>
      %reduce_max3A_296 = arith.constant dense<0xFF800000> : vector<128xf32>
      %reduce_max3A_297 = vector.multi_reduction <maximumf>, %dot_general3A_295, %reduce_max3A_296 [0] : vector<128x128xf32> to vector<128xf32>
      %broadcast_in_dim3A_298 = vector.shape_cast %reduce_max3A_297 : vector<128xf32> to vector<1x128xf32>
      %sub3A_299 = vector.broadcast %broadcast_in_dim3A_298 : vector<1x128xf32> to vector<128x128xf32>
      %sub3A_300 = arith.subf %dot_general3A_295, %sub3A_299 : vector<128x128xf32>
      %exp3A_301 = math.exp %sub3A_300 : vector<128x128xf32>
      %reduce_sum3A_302 = arith.constant dense<0.000000e+00> : vector<128xf32>
      %reduce_sum3A_303 = vector.multi_reduction <add>, %exp3A_301, %reduce_sum3A_302 [0] : vector<128x128xf32> to vector<128xf32>
      %broadcast_in_dim3A_304 = vector.shape_cast %reduce_sum3A_303 : vector<128xf32> to vector<1x128xf32>
      %eq3A_305 = vector.broadcast %broadcast_in_dim3A_298 : vector<1x128xf32> to vector<128x128xf32>
      %eq3A_306 = arith.cmpf oeq, %dot_general3A_295, %eq3A_305 : vector<128x128xf32>
      %jit3A_307 = arith.constant 128 : i32
      %broadcast_in_dim3A_308 = vector.broadcast %jit3A_307 : i32 to vector<128x128xi32>
      %select_n3A_309 = arith.select %eq3A_306, %iota3A, %broadcast_in_dim3A_308 : vector<128x128xi1>, vector<128x128xi32>
      %reduce_min3A_310 = arith.constant dense<2147483647> : vector<128xi32>
      %reduce_min3A_311 = vector.multi_reduction <minsi>, %select_n3A_309, %reduce_min3A_310 [0] : vector<128x128xi32> to vector<128xi32>
      %broadcast_in_dim3A_312 = vector.shape_cast %reduce_min3A_311 : vector<128xi32> to vector<1x128xi32>
      %log3A_313 = math.log %broadcast_in_dim3A_304 : vector<1x128xf32>
      %neg3A_314 = arith.constant 0.000000e+00 : f32
      %neg3A_315 = vector.broadcast %neg3A_314 : f32 to vector<1x128xf32>
      %neg3A_316 = arith.subf %neg3A_315, %log3A_313 : vector<1x128xf32>
      %mul3A_317 = arith.mulf %exp3A_301, %sub3A_300 : vector<128x128xf32>
      %reduce_sum3A_318 = arith.constant dense<0.000000e+00> : vector<128xf32>
      %reduce_sum3A_319 = vector.multi_reduction <add>, %mul3A_317, %reduce_sum3A_318 [0] : vector<128x128xf32> to vector<128xf32>
      %broadcast_in_dim3A_320 = vector.shape_cast %reduce_sum3A_319 : vector<128xf32> to vector<1x128xf32>
      %div3A_321 = arith.divf %broadcast_in_dim3A_320, %broadcast_in_dim3A_304 : vector<1x128xf32>
      %sub3A_322 = arith.subf %log3A_313, %div3A_321 : vector<1x128xf32>
      %swap3A_323 = arith.index_cast %scan3A_290 : i32 to index
      %swap3A_324 = arith.constant 0 : index
      %swap3A_325 = vector.load %arg8[%swap3A_323, %swap3A_324] : memref<512x128xi32, #tpu.memory_space<vmem>>, vector<1x128xi32>
      tpu.vector_store %arg8[%swap3A_323, %swap3A_324], %broadcast_in_dim3A_312 {strides = array<i32>} : memref<512x128xi32, #tpu.memory_space<vmem>>, vector<1x128xi32>,
      %swap3A_326 = arith.index_cast %scan3A_290 : i32 to index
      %swap3A_327 = arith.constant 0 : index
      %swap3A_328 = vector.load %arg9[%swap3A_326, %swap3A_327] : memref<512x128xf32, #tpu.memory_space<vmem>>, vector<1x128xf32>
      tpu.vector_store %arg9[%swap3A_326, %swap3A_327], %neg3A_316 {strides = array<i32>} : memref<512x128xf32, #tpu.memory_space<vmem>>, vector<1x128xf32>,
      %swap3A_329 = arith.index_cast %scan3A_290 : i32 to index
      %swap3A_330 = arith.constant 0 : index
      %swap3A_331 = vector.load %arg10[%swap3A_329, %swap3A_330] : memref<512x128xf32, #tpu.memory_space<vmem>>, vector<1x128xf32>
      tpu.vector_store %arg10[%swap3A_329, %swap3A_330], %sub3A_322 {strides = array<i32>} : memref<512x128xf32, #tpu.memory_space<vmem>>, vector<1x128xf32>,
      %scan3A_332 = arith.constant 4 : i32
      %scan3A_333 = arith.addi %scan3A_165, %scan3A_332 : i32
      %dot_general3A_334 = arith.constant dense<0.000000e+00> : vector<512x128xf32>
      %dot_general3A_335 = tpu.matmul %get3A_8, %tanh3A_293, %dot_general3A_334 {dimension_numbers = #tpu.dot_dimension_numbers<[0], [0], [1], [1], [0, 1, 1, 1], [], []>, transpose_lhs_hint = false} : vector<512x512xf32>, vector<512x128xf32>, vector<512x128xf32> -> vector<512x128xf32>
      %tanh3A_336 = math.tanh %dot_general3A_335 : vector<512x128xf32>
      %dot_general3A_337 = arith.constant dense<0.000000e+00> : vector<128x128xf32>
      %dot_general3A_338 = tpu.matmul %get3A_11, %tanh3A_336, %dot_general3A_337 {dimension_numbers = #tpu.dot_dimension_numbers<[0], [0], [1], [1], [0, 1, 1, 1], [], []>, transpose_lhs_hint = false} : vector<512x128xf32>, vector<512x128xf32>, vector<128x128xf32> -> vector<128x128xf32>
      %reduce_max3A_339 = arith.constant dense<0xFF800000> : vector<128xf32>
      %reduce_max3A_340 = vector.multi_reduction <maximumf>, %dot_general3A_338, %reduce_max3A_339 [0] : vector<128x128xf32> to vector<128xf32>
      %broadcast_in_dim3A_341 = vector.shape_cast %reduce_max3A_340 : vector<128xf32> to vector<1x128xf32>
      %sub3A_342 = vector.broadcast %broadcast_in_dim3A_341 : vector<1x128xf32> to vector<128x128xf32>
      %sub3A_343 = arith.subf %dot_general3A_338, %sub3A_342 : vector<128x128xf32>
      %exp3A_344 = math.exp %sub3A_343 : vector<128x128xf32>
      %reduce_sum3A_345 = arith.constant dense<0.000000e+00> : vector<128xf32>
      %reduce_sum3A_346 = vector.multi_reduction <add>, %exp3A_344, %reduce_sum3A_345 [0] : vector<128x128xf32> to vector<128xf32>
      %broadcast_in_dim3A_347 = vector.shape_cast %reduce_sum3A_346 : vector<128xf32> to vector<1x128xf32>
      %eq3A_348 = vector.broadcast %broadcast_in_dim3A_341 : vector<1x128xf32> to vector<128x128xf32>
      %eq3A_349 = arith.cmpf oeq, %dot_general3A_338, %eq3A_348 : vector<128x128xf32>
      %jit3A_350 = arith.constant 128 : i32
      %broadcast_in_dim3A_351 = vector.broadcast %jit3A_350 : i32 to vector<128x128xi32>
      %select_n3A_352 = arith.select %eq3A_349, %iota3A, %broadcast_in_dim3A_351 : vector<128x128xi1>, vector<128x128xi32>
      %reduce_min3A_353 = arith.constant dense<2147483647> : vector<128xi32>
      %reduce_min3A_354 = vector.multi_reduction <minsi>, %select_n3A_352, %reduce_min3A_353 [0] : vector<128x128xi32> to vector<128xi32>
      %broadcast_in_dim3A_355 = vector.shape_cast %reduce_min3A_354 : vector<128xi32> to vector<1x128xi32>
      %log3A_356 = math.log %broadcast_in_dim3A_347 : vector<1x128xf32>
      %neg3A_357 = arith.constant 0.000000e+00 : f32
      %neg3A_358 = vector.broadcast %neg3A_357 : f32 to vector<1x128xf32>
      %neg3A_359 = arith.subf %neg3A_358, %log3A_356 : vector<1x128xf32>
      %mul3A_360 = arith.mulf %exp3A_344, %sub3A_343 : vector<128x128xf32>
      %reduce_sum3A_361 = arith.constant dense<0.000000e+00> : vector<128xf32>
      %reduce_sum3A_362 = vector.multi_reduction <add>, %mul3A_360, %reduce_sum3A_361 [0] : vector<128x128xf32> to vector<128xf32>
      %broadcast_in_dim3A_363 = vector.shape_cast %reduce_sum3A_362 : vector<128xf32> to vector<1x128xf32>
      %div3A_364 = arith.divf %broadcast_in_dim3A_363, %broadcast_in_dim3A_347 : vector<1x128xf32>
      %sub3A_365 = arith.subf %log3A_356, %div3A_364 : vector<1x128xf32>
      %swap3A_366 = arith.index_cast %scan3A_333 : i32 to index
      %swap3A_367 = arith.constant 0 : index
      %swap3A_368 = vector.load %arg8[%swap3A_366, %swap3A_367] : memref<512x128xi32, #tpu.memory_space<vmem>>, vector<1x128xi32>
      tpu.vector_store %arg8[%swap3A_366, %swap3A_367], %broadcast_in_dim3A_355 {strides = array<i32>} : memref<512x128xi32, #tpu.memory_space<vmem>>, vector<1x128xi32>,
      %swap3A_369 = arith.index_cast %scan3A_333 : i32 to index
      %swap3A_370 = arith.constant 0 : index
      %swap3A_371 = vector.load %arg9[%swap3A_369, %swap3A_370] : memref<512x128xf32, #tpu.memory_space<vmem>>, vector<1x128xf32>
      tpu.vector_store %arg9[%swap3A_369, %swap3A_370], %neg3A_359 {strides = array<i32>} : memref<512x128xf32, #tpu.memory_space<vmem>>, vector<1x128xf32>,
      %swap3A_372 = arith.index_cast %scan3A_333 : i32 to index
      %swap3A_373 = arith.constant 0 : index
      %swap3A_374 = vector.load %arg10[%swap3A_372, %swap3A_373] : memref<512x128xf32, #tpu.memory_space<vmem>>, vector<1x128xf32>
      tpu.vector_store %arg10[%swap3A_372, %swap3A_373], %sub3A_365 {strides = array<i32>} : memref<512x128xf32, #tpu.memory_space<vmem>>, vector<1x128xf32>,
      %scan3A_375 = arith.constant 5 : i32
      %scan3A_376 = arith.addi %scan3A_165, %scan3A_375 : i32
      %dot_general3A_377 = arith.constant dense<0.000000e+00> : vector<512x128xf32>
      %dot_general3A_378 = tpu.matmul %get3A_8, %tanh3A_336, %dot_general3A_377 {dimension_numbers = #tpu.dot_dimension_numbers<[0], [0], [1], [1], [0, 1, 1, 1], [], []>, transpose_lhs_hint = false} : vector<512x512xf32>, vector<512x128xf32>, vector<512x128xf32> -> vector<512x128xf32>
      %tanh3A_379 = math.tanh %dot_general3A_378 : vector<512x128xf32>
      %dot_general3A_380 = arith.constant dense<0.000000e+00> : vector<128x128xf32>
      %dot_general3A_381 = tpu.matmul %get3A_11, %tanh3A_379, %dot_general3A_380 {dimension_numbers = #tpu.dot_dimension_numbers<[0], [0], [1], [1], [0, 1, 1, 1], [], []>, transpose_lhs_hint = false} : vector<512x128xf32>, vector<512x128xf32>, vector<128x128xf32> -> vector<128x128xf32>
      %reduce_max3A_382 = arith.constant dense<0xFF800000> : vector<128xf32>
      %reduce_max3A_383 = vector.multi_reduction <maximumf>, %dot_general3A_381, %reduce_max3A_382 [0] : vector<128x128xf32> to vector<128xf32>
      %broadcast_in_dim3A_384 = vector.shape_cast %reduce_max3A_383 : vector<128xf32> to vector<1x128xf32>
      %sub3A_385 = vector.broadcast %broadcast_in_dim3A_384 : vector<1x128xf32> to vector<128x128xf32>
      %sub3A_386 = arith.subf %dot_general3A_381, %sub3A_385 : vector<128x128xf32>
      %exp3A_387 = math.exp %sub3A_386 : vector<128x128xf32>
      %reduce_sum3A_388 = arith.constant dense<0.000000e+00> : vector<128xf32>
      %reduce_sum3A_389 = vector.multi_reduction <add>, %exp3A_387, %reduce_sum3A_388 [0] : vector<128x128xf32> to vector<128xf32>
      %broadcast_in_dim3A_390 = vector.shape_cast %reduce_sum3A_389 : vector<128xf32> to vector<1x128xf32>
      %eq3A_391 = vector.broadcast %broadcast_in_dim3A_384 : vector<1x128xf32> to vector<128x128xf32>
      %eq3A_392 = arith.cmpf oeq, %dot_general3A_381, %eq3A_391 : vector<128x128xf32>
      %jit3A_393 = arith.constant 128 : i32
      %broadcast_in_dim3A_394 = vector.broadcast %jit3A_393 : i32 to vector<128x128xi32>
      %select_n3A_395 = arith.select %eq3A_392, %iota3A, %broadcast_in_dim3A_394 : vector<128x128xi1>, vector<128x128xi32>
      %reduce_min3A_396 = arith.constant dense<2147483647> : vector<128xi32>
      %reduce_min3A_397 = vector.multi_reduction <minsi>, %select_n3A_395, %reduce_min3A_396 [0] : vector<128x128xi32> to vector<128xi32>
      %broadcast_in_dim3A_398 = vector.shape_cast %reduce_min3A_397 : vector<128xi32> to vector<1x128xi32>
      %log3A_399 = math.log %broadcast_in_dim3A_390 : vector<1x128xf32>
      %neg3A_400 = arith.constant 0.000000e+00 : f32
      %neg3A_401 = vector.broadcast %neg3A_400 : f32 to vector<1x128xf32>
      %neg3A_402 = arith.subf %neg3A_401, %log3A_399 : vector<1x128xf32>
      %mul3A_403 = arith.mulf %exp3A_387, %sub3A_386 : vector<128x128xf32>
      %reduce_sum3A_404 = arith.constant dense<0.000000e+00> : vector<128xf32>
      %reduce_sum3A_405 = vector.multi_reduction <add>, %mul3A_403, %reduce_sum3A_404 [0] : vector<128x128xf32> to vector<128xf32>
      %broadcast_in_dim3A_406 = vector.shape_cast %reduce_sum3A_405 : vector<128xf32> to vector<1x128xf32>
      %div3A_407 = arith.divf %broadcast_in_dim3A_406, %broadcast_in_dim3A_390 : vector<1x128xf32>
      %sub3A_408 = arith.subf %log3A_399, %div3A_407 : vector<1x128xf32>
      %swap3A_409 = arith.index_cast %scan3A_376 : i32 to index
      %swap3A_410 = arith.constant 0 : index
      %swap3A_411 = vector.load %arg8[%swap3A_409, %swap3A_410] : memref<512x128xi32, #tpu.memory_space<vmem>>, vector<1x128xi32>
      tpu.vector_store %arg8[%swap3A_409, %swap3A_410], %broadcast_in_dim3A_398 {strides = array<i32>} : memref<512x128xi32, #tpu.memory_space<vmem>>, vector<1x128xi32>,
      %swap3A_412 = arith.index_cast %scan3A_376 : i32 to index
      %swap3A_413 = arith.constant 0 : index
      %swap3A_414 = vector.load %arg9[%swap3A_412, %swap3A_413] : memref<512x128xf32, #tpu.memory_space<vmem>>, vector<1x128xf32>
      tpu.vector_store %arg9[%swap3A_412, %swap3A_413], %neg3A_402 {strides = array<i32>} : memref<512x128xf32, #tpu.memory_space<vmem>>, vector<1x128xf32>,
      %swap3A_415 = arith.index_cast %scan3A_376 : i32 to index
      %swap3A_416 = arith.constant 0 : index
      %swap3A_417 = vector.load %arg10[%swap3A_415, %swap3A_416] : memref<512x128xf32, #tpu.memory_space<vmem>>, vector<1x128xf32>
      tpu.vector_store %arg10[%swap3A_415, %swap3A_416], %sub3A_408 {strides = array<i32>} : memref<512x128xf32, #tpu.memory_space<vmem>>, vector<1x128xf32>,
      %scan3A_418 = arith.constant 6 : i32
      %scan3A_419 = arith.addi %scan3A_165, %scan3A_418 : i32
      %dot_general3A_420 = arith.constant dense<0.000000e+00> : vector<512x128xf32>
      %dot_general3A_421 = tpu.matmul %get3A_8, %tanh3A_379, %dot_general3A_420 {dimension_numbers = #tpu.dot_dimension_numbers<[0], [0], [1], [1], [0, 1, 1, 1], [], []>, transpose_lhs_hint = false} : vector<512x512xf32>, vector<512x128xf32>, vector<512x128xf32> -> vector<512x128xf32>
      %tanh3A_422 = math.tanh %dot_general3A_421 : vector<512x128xf32>
      %dot_general3A_423 = arith.constant dense<0.000000e+00> : vector<128x128xf32>
      %dot_general3A_424 = tpu.matmul %get3A_11, %tanh3A_422, %dot_general3A_423 {dimension_numbers = #tpu.dot_dimension_numbers<[0], [0], [1], [1], [0, 1, 1, 1], [], []>, transpose_lhs_hint = false} : vector<512x128xf32>, vector<512x128xf32>, vector<128x128xf32> -> vector<128x128xf32>
      %reduce_max3A_425 = arith.constant dense<0xFF800000> : vector<128xf32>
      %reduce_max3A_426 = vector.multi_reduction <maximumf>, %dot_general3A_424, %reduce_max3A_425 [0] : vector<128x128xf32> to vector<128xf32>
      %broadcast_in_dim3A_427 = vector.shape_cast %reduce_max3A_426 : vector<128xf32> to vector<1x128xf32>
      %sub3A_428 = vector.broadcast %broadcast_in_dim3A_427 : vector<1x128xf32> to vector<128x128xf32>
      %sub3A_429 = arith.subf %dot_general3A_424, %sub3A_428 : vector<128x128xf32>
      %exp3A_430 = math.exp %sub3A_429 : vector<128x128xf32>
      %reduce_sum3A_431 = arith.constant dense<0.000000e+00> : vector<128xf32>
      %reduce_sum3A_432 = vector.multi_reduction <add>, %exp3A_430, %reduce_sum3A_431 [0] : vector<128x128xf32> to vector<128xf32>
      %broadcast_in_dim3A_433 = vector.shape_cast %reduce_sum3A_432 : vector<128xf32> to vector<1x128xf32>
      %eq3A_434 = vector.broadcast %broadcast_in_dim3A_427 : vector<1x128xf32> to vector<128x128xf32>
      %eq3A_435 = arith.cmpf oeq, %dot_general3A_424, %eq3A_434 : vector<128x128xf32>
      %jit3A_436 = arith.constant 128 : i32
      %broadcast_in_dim3A_437 = vector.broadcast %jit3A_436 : i32 to vector<128x128xi32>
      %select_n3A_438 = arith.select %eq3A_435, %iota3A, %broadcast_in_dim3A_437 : vector<128x128xi1>, vector<128x128xi32>
      %reduce_min3A_439 = arith.constant dense<2147483647> : vector<128xi32>
      %reduce_min3A_440 = vector.multi_reduction <minsi>, %select_n3A_438, %reduce_min3A_439 [0] : vector<128x128xi32> to vector<128xi32>
      %broadcast_in_dim3A_441 = vector.shape_cast %reduce_min3A_440 : vector<128xi32> to vector<1x128xi32>
      %log3A_442 = math.log %broadcast_in_dim3A_433 : vector<1x128xf32>
      %neg3A_443 = arith.constant 0.000000e+00 : f32
      %neg3A_444 = vector.broadcast %neg3A_443 : f32 to vector<1x128xf32>
      %neg3A_445 = arith.subf %neg3A_444, %log3A_442 : vector<1x128xf32>
      %mul3A_446 = arith.mulf %exp3A_430, %sub3A_429 : vector<128x128xf32>
      %reduce_sum3A_447 = arith.constant dense<0.000000e+00> : vector<128xf32>
      %reduce_sum3A_448 = vector.multi_reduction <add>, %mul3A_446, %reduce_sum3A_447 [0] : vector<128x128xf32> to vector<128xf32>
      %broadcast_in_dim3A_449 = vector.shape_cast %reduce_sum3A_448 : vector<128xf32> to vector<1x128xf32>
      %div3A_450 = arith.divf %broadcast_in_dim3A_449, %broadcast_in_dim3A_433 : vector<1x128xf32>
      %sub3A_451 = arith.subf %log3A_442, %div3A_450 : vector<1x128xf32>
      %swap3A_452 = arith.index_cast %scan3A_419 : i32 to index
      %swap3A_453 = arith.constant 0 : index
      %swap3A_454 = vector.load %arg8[%swap3A_452, %swap3A_453] : memref<512x128xi32, #tpu.memory_space<vmem>>, vector<1x128xi32>
      tpu.vector_store %arg8[%swap3A_452, %swap3A_453], %broadcast_in_dim3A_441 {strides = array<i32>} : memref<512x128xi32, #tpu.memory_space<vmem>>, vector<1x128xi32>,
      %swap3A_455 = arith.index_cast %scan3A_419 : i32 to index
      %swap3A_456 = arith.constant 0 : index
      %swap3A_457 = vector.load %arg9[%swap3A_455, %swap3A_456] : memref<512x128xf32, #tpu.memory_space<vmem>>, vector<1x128xf32>
      tpu.vector_store %arg9[%swap3A_455, %swap3A_456], %neg3A_445 {strides = array<i32>} : memref<512x128xf32, #tpu.memory_space<vmem>>, vector<1x128xf32>,
      %swap3A_458 = arith.index_cast %scan3A_419 : i32 to index
      %swap3A_459 = arith.constant 0 : index
      %swap3A_460 = vector.load %arg10[%swap3A_458, %swap3A_459] : memref<512x128xf32, #tpu.memory_space<vmem>>, vector<1x128xf32>
      tpu.vector_store %arg10[%swap3A_458, %swap3A_459], %sub3A_451 {strides = array<i32>} : memref<512x128xf32, #tpu.memory_space<vmem>>, vector<1x128xf32>,
      %scan3A_461 = arith.constant 7 : i32
      %scan3A_462 = arith.addi %scan3A_165, %scan3A_461 : i32
      %dot_general3A_463 = arith.constant dense<0.000000e+00> : vector<512x128xf32>
      %dot_general3A_464 = tpu.matmul %get3A_8, %tanh3A_422, %dot_general3A_463 {dimension_numbers = #tpu.dot_dimension_numbers<[0], [0], [1], [1], [0, 1, 1, 1], [], []>, transpose_lhs_hint = false} : vector<512x512xf32>, vector<512x128xf32>, vector<512x128xf32> -> vector<512x128xf32>
      %tanh3A_465 = math.tanh %dot_general3A_464 : vector<512x128xf32>
      %dot_general3A_466 = arith.constant dense<0.000000e+00> : vector<128x128xf32>
      %dot_general3A_467 = tpu.matmul %get3A_11, %tanh3A_465, %dot_general3A_466 {dimension_numbers = #tpu.dot_dimension_numbers<[0], [0], [1], [1], [0, 1, 1, 1], [], []>, transpose_lhs_hint = false} : vector<512x128xf32>, vector<512x128xf32>, vector<128x128xf32> -> vector<128x128xf32>
      %reduce_max3A_468 = arith.constant dense<0xFF800000> : vector<128xf32>
      %reduce_max3A_469 = vector.multi_reduction <maximumf>, %dot_general3A_467, %reduce_max3A_468 [0] : vector<128x128xf32> to vector<128xf32>
      %broadcast_in_dim3A_470 = vector.shape_cast %reduce_max3A_469 : vector<128xf32> to vector<1x128xf32>
      %sub3A_471 = vector.broadcast %broadcast_in_dim3A_470 : vector<1x128xf32> to vector<128x128xf32>
      %sub3A_472 = arith.subf %dot_general3A_467, %sub3A_471 : vector<128x128xf32>
      %exp3A_473 = math.exp %sub3A_472 : vector<128x128xf32>
      %reduce_sum3A_474 = arith.constant dense<0.000000e+00> : vector<128xf32>
      %reduce_sum3A_475 = vector.multi_reduction <add>, %exp3A_473, %reduce_sum3A_474 [0] : vector<128x128xf32> to vector<128xf32>
      %broadcast_in_dim3A_476 = vector.shape_cast %reduce_sum3A_475 : vector<128xf32> to vector<1x128xf32>
      %eq3A_477 = vector.broadcast %broadcast_in_dim3A_470 : vector<1x128xf32> to vector<128x128xf32>
      %eq3A_478 = arith.cmpf oeq, %dot_general3A_467, %eq3A_477 : vector<128x128xf32>
      %jit3A_479 = arith.constant 128 : i32
      %broadcast_in_dim3A_480 = vector.broadcast %jit3A_479 : i32 to vector<128x128xi32>
      %select_n3A_481 = arith.select %eq3A_478, %iota3A, %broadcast_in_dim3A_480 : vector<128x128xi1>, vector<128x128xi32>
      %reduce_min3A_482 = arith.constant dense<2147483647> : vector<128xi32>
      %reduce_min3A_483 = vector.multi_reduction <minsi>, %select_n3A_481, %reduce_min3A_482 [0] : vector<128x128xi32> to vector<128xi32>
      %broadcast_in_dim3A_484 = vector.shape_cast %reduce_min3A_483 : vector<128xi32> to vector<1x128xi32>
      %log3A_485 = math.log %broadcast_in_dim3A_476 : vector<1x128xf32>
      %neg3A_486 = arith.constant 0.000000e+00 : f32
      %neg3A_487 = vector.broadcast %neg3A_486 : f32 to vector<1x128xf32>
      %neg3A_488 = arith.subf %neg3A_487, %log3A_485 : vector<1x128xf32>
      %mul3A_489 = arith.mulf %exp3A_473, %sub3A_472 : vector<128x128xf32>
      %reduce_sum3A_490 = arith.constant dense<0.000000e+00> : vector<128xf32>
      %reduce_sum3A_491 = vector.multi_reduction <add>, %mul3A_489, %reduce_sum3A_490 [0] : vector<128x128xf32> to vector<128xf32>
      %broadcast_in_dim3A_492 = vector.shape_cast %reduce_sum3A_491 : vector<128xf32> to vector<1x128xf32>
      %div3A_493 = arith.divf %broadcast_in_dim3A_492, %broadcast_in_dim3A_476 : vector<1x128xf32>
      %sub3A_494 = arith.subf %log3A_485, %div3A_493 : vector<1x128xf32>
      %swap3A_495 = arith.index_cast %scan3A_462 : i32 to index
      %swap3A_496 = arith.constant 0 : index
      %swap3A_497 = vector.load %arg8[%swap3A_495, %swap3A_496] : memref<512x128xi32, #tpu.memory_space<vmem>>, vector<1x128xi32>
      tpu.vector_store %arg8[%swap3A_495, %swap3A_496], %broadcast_in_dim3A_484 {strides = array<i32>} : memref<512x128xi32, #tpu.memory_space<vmem>>, vector<1x128xi32>,
      %swap3A_498 = arith.index_cast %scan3A_462 : i32 to index
      %swap3A_499 = arith.constant 0 : index
      %swap3A_500 = vector.load %arg9[%swap3A_498, %swap3A_499] : memref<512x128xf32, #tpu.memory_space<vmem>>, vector<1x128xf32>
      tpu.vector_store %arg9[%swap3A_498, %swap3A_499], %neg3A_488 {strides = array<i32>} : memref<512x128xf32, #tpu.memory_space<vmem>>, vector<1x128xf32>,
      %swap3A_501 = arith.index_cast %scan3A_462 : i32 to index
      %swap3A_502 = arith.constant 0 : index
      %swap3A_503 = vector.load %arg10[%swap3A_501, %swap3A_502] : memref<512x128xf32, #tpu.memory_space<vmem>>, vector<1x128xf32>
      tpu.vector_store %arg10[%swap3A_501, %swap3A_502], %sub3A_494 {strides = array<i32>} : memref<512x128xf32, #tpu.memory_space<vmem>>, vector<1x128xf32>,
      %scan3A_504 = arith.constant 8 : i32
      %scan3A_505 = arith.addi %scan3A_165, %scan3A_504 : i32
      %dot_general3A_506 = arith.constant dense<0.000000e+00> : vector<512x128xf32>
      %dot_general3A_507 = tpu.matmul %get3A_8, %tanh3A_465, %dot_general3A_506 {dimension_numbers = #tpu.dot_dimension_numbers<[0], [0], [1], [1], [0, 1, 1, 1], [], []>, transpose_lhs_hint = false} : vector<512x512xf32>, vector<512x128xf32>, vector<512x128xf32> -> vector<512x128xf32>
      %tanh3A_508 = math.tanh %dot_general3A_507 : vector<512x128xf32>
      %dot_general3A_509 = arith.constant dense<0.000000e+00> : vector<128x128xf32>
      %dot_general3A_510 = tpu.matmul %get3A_11, %tanh3A_508, %dot_general3A_509 {dimension_numbers = #tpu.dot_dimension_numbers<[0], [0], [1], [1], [0, 1, 1, 1], [], []>, transpose_lhs_hint = false} : vector<512x128xf32>, vector<512x128xf32>, vector<128x128xf32> -> vector<128x128xf32>
      %reduce_max3A_511 = arith.constant dense<0xFF800000> : vector<128xf32>
      %reduce_max3A_512 = vector.multi_reduction <maximumf>, %dot_general3A_510, %reduce_max3A_511 [0] : vector<128x128xf32> to vector<128xf32>
      %broadcast_in_dim3A_513 = vector.shape_cast %reduce_max3A_512 : vector<128xf32> to vector<1x128xf32>
      %sub3A_514 = vector.broadcast %broadcast_in_dim3A_513 : vector<1x128xf32> to vector<128x128xf32>
      %sub3A_515 = arith.subf %dot_general3A_510, %sub3A_514 : vector<128x128xf32>
      %exp3A_516 = math.exp %sub3A_515 : vector<128x128xf32>
      %reduce_sum3A_517 = arith.constant dense<0.000000e+00> : vector<128xf32>
      %reduce_sum3A_518 = vector.multi_reduction <add>, %exp3A_516, %reduce_sum3A_517 [0] : vector<128x128xf32> to vector<128xf32>
      %broadcast_in_dim3A_519 = vector.shape_cast %reduce_sum3A_518 : vector<128xf32> to vector<1x128xf32>
      %eq3A_520 = vector.broadcast %broadcast_in_dim3A_513 : vector<1x128xf32> to vector<128x128xf32>
      %eq3A_521 = arith.cmpf oeq, %dot_general3A_510, %eq3A_520 : vector<128x128xf32>
      %jit3A_522 = arith.constant 128 : i32
      %broadcast_in_dim3A_523 = vector.broadcast %jit3A_522 : i32 to vector<128x128xi32>
      %select_n3A_524 = arith.select %eq3A_521, %iota3A, %broadcast_in_dim3A_523 : vector<128x128xi1>, vector<128x128xi32>
      %reduce_min3A_525 = arith.constant dense<2147483647> : vector<128xi32>
      %reduce_min3A_526 = vector.multi_reduction <minsi>, %select_n3A_524, %reduce_min3A_525 [0] : vector<128x128xi32> to vector<128xi32>
      %broadcast_in_dim3A_527 = vector.shape_cast %reduce_min3A_526 : vector<128xi32> to vector<1x128xi32>
      %log3A_528 = math.log %broadcast_in_dim3A_519 : vector<1x128xf32>
      %neg3A_529 = arith.constant 0.000000e+00 : f32
      %neg3A_530 = vector.broadcast %neg3A_529 : f32 to vector<1x128xf32>
      %neg3A_531 = arith.subf %neg3A_530, %log3A_528 : vector<1x128xf32>
      %mul3A_532 = arith.mulf %exp3A_516, %sub3A_515 : vector<128x128xf32>
      %reduce_sum3A_533 = arith.constant dense<0.000000e+00> : vector<128xf32>
      %reduce_sum3A_534 = vector.multi_reduction <add>, %mul3A_532, %reduce_sum3A_533 [0] : vector<128x128xf32> to vector<128xf32>
      %broadcast_in_dim3A_535 = vector.shape_cast %reduce_sum3A_534 : vector<128xf32> to vector<1x128xf32>
      %div3A_536 = arith.divf %broadcast_in_dim3A_535, %broadcast_in_dim3A_519 : vector<1x128xf32>
      %sub3A_537 = arith.subf %log3A_528, %div3A_536 : vector<1x128xf32>
      %swap3A_538 = arith.index_cast %scan3A_505 : i32 to index
      %swap3A_539 = arith.constant 0 : index
      %swap3A_540 = vector.load %arg8[%swap3A_538, %swap3A_539] : memref<512x128xi32, #tpu.memory_space<vmem>>, vector<1x128xi32>
      tpu.vector_store %arg8[%swap3A_538, %swap3A_539], %broadcast_in_dim3A_527 {strides = array<i32>} : memref<512x128xi32, #tpu.memory_space<vmem>>, vector<1x128xi32>,
      %swap3A_541 = arith.index_cast %scan3A_505 : i32 to index
      %swap3A_542 = arith.constant 0 : index
      %swap3A_543 = vector.load %arg9[%swap3A_541, %swap3A_542] : memref<512x128xf32, #tpu.memory_space<vmem>>, vector<1x128xf32>
      tpu.vector_store %arg9[%swap3A_541, %swap3A_542], %neg3A_531 {strides = array<i32>} : memref<512x128xf32, #tpu.memory_space<vmem>>, vector<1x128xf32>,
      %swap3A_544 = arith.index_cast %scan3A_505 : i32 to index
      %swap3A_545 = arith.constant 0 : index
      %swap3A_546 = vector.load %arg10[%swap3A_544, %swap3A_545] : memref<512x128xf32, #tpu.memory_space<vmem>>, vector<1x128xf32>
      tpu.vector_store %arg10[%swap3A_544, %swap3A_545], %sub3A_537 {strides = array<i32>} : memref<512x128xf32, #tpu.memory_space<vmem>>, vector<1x128xf32>,
      %scan3A_547 = arith.constant 9 : i32
      %scan3A_548 = arith.addi %scan3A_165, %scan3A_547 : i32
      %dot_general3A_549 = arith.constant dense<0.000000e+00> : vector<512x128xf32>
      %dot_general3A_550 = tpu.matmul %get3A_8, %tanh3A_508, %dot_general3A_549 {dimension_numbers = #tpu.dot_dimension_numbers<[0], [0], [1], [1], [0, 1, 1, 1], [], []>, transpose_lhs_hint = false} : vector<512x512xf32>, vector<512x128xf32>, vector<512x128xf32> -> vector<512x128xf32>
      %tanh3A_551 = math.tanh %dot_general3A_550 : vector<512x128xf32>
      %dot_general3A_552 = arith.constant dense<0.000000e+00> : vector<128x128xf32>
      %dot_general3A_553 = tpu.matmul %get3A_11, %tanh3A_551, %dot_general3A_552 {dimension_numbers = #tpu.dot_dimension_numbers<[0], [0], [1], [1], [0, 1, 1, 1], [], []>, transpose_lhs_hint = false} : vector<512x128xf32>, vector<512x128xf32>, vector<128x128xf32> -> vector<128x128xf32>
      %reduce_max3A_554 = arith.constant dense<0xFF800000> : vector<128xf32>
      %reduce_max3A_555 = vector.multi_reduction <maximumf>, %dot_general3A_553, %reduce_max3A_554 [0] : vector<128x128xf32> to vector<128xf32>
      %broadcast_in_dim3A_556 = vector.shape_cast %reduce_max3A_555 : vector<128xf32> to vector<1x128xf32>
      %sub3A_557 = vector.broadcast %broadcast_in_dim3A_556 : vector<1x128xf32> to vector<128x128xf32>
      %sub3A_558 = arith.subf %dot_general3A_553, %sub3A_557 : vector<128x128xf32>
      %exp3A_559 = math.exp %sub3A_558 : vector<128x128xf32>
      %reduce_sum3A_560 = arith.constant dense<0.000000e+00> : vector<128xf32>
      %reduce_sum3A_561 = vector.multi_reduction <add>, %exp3A_559, %reduce_sum3A_560 [0] : vector<128x128xf32> to vector<128xf32>
      %broadcast_in_dim3A_562 = vector.shape_cast %reduce_sum3A_561 : vector<128xf32> to vector<1x128xf32>
      %eq3A_563 = vector.broadcast %broadcast_in_dim3A_556 : vector<1x128xf32> to vector<128x128xf32>
      %eq3A_564 = arith.cmpf oeq, %dot_general3A_553, %eq3A_563 : vector<128x128xf32>
      %jit3A_565 = arith.constant 128 : i32
      %broadcast_in_dim3A_566 = vector.broadcast %jit3A_565 : i32 to vector<128x128xi32>
      %select_n3A_567 = arith.select %eq3A_564, %iota3A, %broadcast_in_dim3A_566 : vector<128x128xi1>, vector<128x128xi32>
      %reduce_min3A_568 = arith.constant dense<2147483647> : vector<128xi32>
      %reduce_min3A_569 = vector.multi_reduction <minsi>, %select_n3A_567, %reduce_min3A_568 [0] : vector<128x128xi32> to vector<128xi32>
      %broadcast_in_dim3A_570 = vector.shape_cast %reduce_min3A_569 : vector<128xi32> to vector<1x128xi32>
      %log3A_571 = math.log %broadcast_in_dim3A_562 : vector<1x128xf32>
      %neg3A_572 = arith.constant 0.000000e+00 : f32
      %neg3A_573 = vector.broadcast %neg3A_572 : f32 to vector<1x128xf32>
      %neg3A_574 = arith.subf %neg3A_573, %log3A_571 : vector<1x128xf32>
      %mul3A_575 = arith.mulf %exp3A_559, %sub3A_558 : vector<128x128xf32>
      %reduce_sum3A_576 = arith.constant dense<0.000000e+00> : vector<128xf32>
      %reduce_sum3A_577 = vector.multi_reduction <add>, %mul3A_575, %reduce_sum3A_576 [0] : vector<128x128xf32> to vector<128xf32>
      %broadcast_in_dim3A_578 = vector.shape_cast %reduce_sum3A_577 : vector<128xf32> to vector<1x128xf32>
      %div3A_579 = arith.divf %broadcast_in_dim3A_578, %broadcast_in_dim3A_562 : vector<1x128xf32>
      %sub3A_580 = arith.subf %log3A_571, %div3A_579 : vector<1x128xf32>
      %swap3A_581 = arith.index_cast %scan3A_548 : i32 to index
      %swap3A_582 = arith.constant 0 : index
      %swap3A_583 = vector.load %arg8[%swap3A_581, %swap3A_582] : memref<512x128xi32, #tpu.memory_space<vmem>>, vector<1x128xi32>
      tpu.vector_store %arg8[%swap3A_581, %swap3A_582], %broadcast_in_dim3A_570 {strides = array<i32>} : memref<512x128xi32, #tpu.memory_space<vmem>>, vector<1x128xi32>,
      %swap3A_584 = arith.index_cast %scan3A_548 : i32 to index
      %swap3A_585 = arith.constant 0 : index
      %swap3A_586 = vector.load %arg9[%swap3A_584, %swap3A_585] : memref<512x128xf32, #tpu.memory_space<vmem>>, vector<1x128xf32>
      tpu.vector_store %arg9[%swap3A_584, %swap3A_585], %neg3A_574 {strides = array<i32>} : memref<512x128xf32, #tpu.memory_space<vmem>>, vector<1x128xf32>,
      %swap3A_587 = arith.index_cast %scan3A_548 : i32 to index
      %swap3A_588 = arith.constant 0 : index
      %swap3A_589 = vector.load %arg10[%swap3A_587, %swap3A_588] : memref<512x128xf32, #tpu.memory_space<vmem>>, vector<1x128xf32>
      tpu.vector_store %arg10[%swap3A_587, %swap3A_588], %sub3A_580 {strides = array<i32>} : memref<512x128xf32, #tpu.memory_space<vmem>>, vector<1x128xf32>,
      %scan3A_590 = arith.constant 10 : i32
      %scan3A_591 = arith.addi %scan3A_165, %scan3A_590 : i32
      %dot_general3A_592 = arith.constant dense<0.000000e+00> : vector<512x128xf32>
      %dot_general3A_593 = tpu.matmul %get3A_8, %tanh3A_551, %dot_general3A_592 {dimension_numbers = #tpu.dot_dimension_numbers<[0], [0], [1], [1], [0, 1, 1, 1], [], []>, transpose_lhs_hint = false} : vector<512x512xf32>, vector<512x128xf32>, vector<512x128xf32> -> vector<512x128xf32>
      %tanh3A_594 = math.tanh %dot_general3A_593 : vector<512x128xf32>
      %dot_general3A_595 = arith.constant dense<0.000000e+00> : vector<128x128xf32>
      %dot_general3A_596 = tpu.matmul %get3A_11, %tanh3A_594, %dot_general3A_595 {dimension_numbers = #tpu.dot_dimension_numbers<[0], [0], [1], [1], [0, 1, 1, 1], [], []>, transpose_lhs_hint = false} : vector<512x128xf32>, vector<512x128xf32>, vector<128x128xf32> -> vector<128x128xf32>
      %reduce_max3A_597 = arith.constant dense<0xFF800000> : vector<128xf32>
      %reduce_max3A_598 = vector.multi_reduction <maximumf>, %dot_general3A_596, %reduce_max3A_597 [0] : vector<128x128xf32> to vector<128xf32>
      %broadcast_in_dim3A_599 = vector.shape_cast %reduce_max3A_598 : vector<128xf32> to vector<1x128xf32>
      %sub3A_600 = vector.broadcast %broadcast_in_dim3A_599 : vector<1x128xf32> to vector<128x128xf32>
      %sub3A_601 = arith.subf %dot_general3A_596, %sub3A_600 : vector<128x128xf32>
      %exp3A_602 = math.exp %sub3A_601 : vector<128x128xf32>
      %reduce_sum3A_603 = arith.constant dense<0.000000e+00> : vector<128xf32>
      %reduce_sum3A_604 = vector.multi_reduction <add>, %exp3A_602, %reduce_sum3A_603 [0] : vector<128x128xf32> to vector<128xf32>
      %broadcast_in_dim3A_605 = vector.shape_cast %reduce_sum3A_604 : vector<128xf32> to vector<1x128xf32>
      %eq3A_606 = vector.broadcast %broadcast_in_dim3A_599 : vector<1x128xf32> to vector<128x128xf32>
      %eq3A_607 = arith.cmpf oeq, %dot_general3A_596, %eq3A_606 : vector<128x128xf32>
      %jit3A_608 = arith.constant 128 : i32
      %broadcast_in_dim3A_609 = vector.broadcast %jit3A_608 : i32 to vector<128x128xi32>
      %select_n3A_610 = arith.select %eq3A_607, %iota3A, %broadcast_in_dim3A_609 : vector<128x128xi1>, vector<128x128xi32>
      %reduce_min3A_611 = arith.constant dense<2147483647> : vector<128xi32>
      %reduce_min3A_612 = vector.multi_reduction <minsi>, %select_n3A_610, %reduce_min3A_611 [0] : vector<128x128xi32> to vector<128xi32>
      %broadcast_in_dim3A_613 = vector.shape_cast %reduce_min3A_612 : vector<128xi32> to vector<1x128xi32>
      %log3A_614 = math.log %broadcast_in_dim3A_605 : vector<1x128xf32>
      %neg3A_615 = arith.constant 0.000000e+00 : f32
      %neg3A_616 = vector.broadcast %neg3A_615 : f32 to vector<1x128xf32>
      %neg3A_617 = arith.subf %neg3A_616, %log3A_614 : vector<1x128xf32>
      %mul3A_618 = arith.mulf %exp3A_602, %sub3A_601 : vector<128x128xf32>
      %reduce_sum3A_619 = arith.constant dense<0.000000e+00> : vector<128xf32>
      %reduce_sum3A_620 = vector.multi_reduction <add>, %mul3A_618, %reduce_sum3A_619 [0] : vector<128x128xf32> to vector<128xf32>
      %broadcast_in_dim3A_621 = vector.shape_cast %reduce_sum3A_620 : vector<128xf32> to vector<1x128xf32>
      %div3A_622 = arith.divf %broadcast_in_dim3A_621, %broadcast_in_dim3A_605 : vector<1x128xf32>
      %sub3A_623 = arith.subf %log3A_614, %div3A_622 : vector<1x128xf32>
      %swap3A_624 = arith.index_cast %scan3A_591 : i32 to index
      %swap3A_625 = arith.constant 0 : index
      %swap3A_626 = vector.load %arg8[%swap3A_624, %swap3A_625] : memref<512x128xi32, #tpu.memory_space<vmem>>, vector<1x128xi32>
      tpu.vector_store %arg8[%swap3A_624, %swap3A_625], %broadcast_in_dim3A_613 {strides = array<i32>} : memref<512x128xi32, #tpu.memory_space<vmem>>, vector<1x128xi32>,
      %swap3A_627 = arith.index_cast %scan3A_591 : i32 to index
      %swap3A_628 = arith.constant 0 : index
      %swap3A_629 = vector.load %arg9[%swap3A_627, %swap3A_628] : memref<512x128xf32, #tpu.memory_space<vmem>>, vector<1x128xf32>
      tpu.vector_store %arg9[%swap3A_627, %swap3A_628], %neg3A_617 {strides = array<i32>} : memref<512x128xf32, #tpu.memory_space<vmem>>, vector<1x128xf32>,
      %swap3A_630 = arith.index_cast %scan3A_591 : i32 to index
      %swap3A_631 = arith.constant 0 : index
      %swap3A_632 = vector.load %arg10[%swap3A_630, %swap3A_631] : memref<512x128xf32, #tpu.memory_space<vmem>>, vector<1x128xf32>
      tpu.vector_store %arg10[%swap3A_630, %swap3A_631], %sub3A_623 {strides = array<i32>} : memref<512x128xf32, #tpu.memory_space<vmem>>, vector<1x128xf32>,
      %scan3A_633 = arith.constant 11 : i32
      %scan3A_634 = arith.addi %scan3A_165, %scan3A_633 : i32
      %dot_general3A_635 = arith.constant dense<0.000000e+00> : vector<512x128xf32>
      %dot_general3A_636 = tpu.matmul %get3A_8, %tanh3A_594, %dot_general3A_635 {dimension_numbers = #tpu.dot_dimension_numbers<[0], [0], [1], [1], [0, 1, 1, 1], [], []>, transpose_lhs_hint = false} : vector<512x512xf32>, vector<512x128xf32>, vector<512x128xf32> -> vector<512x128xf32>
      %tanh3A_637 = math.tanh %dot_general3A_636 : vector<512x128xf32>
      %dot_general3A_638 = arith.constant dense<0.000000e+00> : vector<128x128xf32>
      %dot_general3A_639 = tpu.matmul %get3A_11, %tanh3A_637, %dot_general3A_638 {dimension_numbers = #tpu.dot_dimension_numbers<[0], [0], [1], [1], [0, 1, 1, 1], [], []>, transpose_lhs_hint = false} : vector<512x128xf32>, vector<512x128xf32>, vector<128x128xf32> -> vector<128x128xf32>
      %reduce_max3A_640 = arith.constant dense<0xFF800000> : vector<128xf32>
      %reduce_max3A_641 = vector.multi_reduction <maximumf>, %dot_general3A_639, %reduce_max3A_640 [0] : vector<128x128xf32> to vector<128xf32>
      %broadcast_in_dim3A_642 = vector.shape_cast %reduce_max3A_641 : vector<128xf32> to vector<1x128xf32>
      %sub3A_643 = vector.broadcast %broadcast_in_dim3A_642 : vector<1x128xf32> to vector<128x128xf32>
      %sub3A_644 = arith.subf %dot_general3A_639, %sub3A_643 : vector<128x128xf32>
      %exp3A_645 = math.exp %sub3A_644 : vector<128x128xf32>
      %reduce_sum3A_646 = arith.constant dense<0.000000e+00> : vector<128xf32>
      %reduce_sum3A_647 = vector.multi_reduction <add>, %exp3A_645, %reduce_sum3A_646 [0] : vector<128x128xf32> to vector<128xf32>
      %broadcast_in_dim3A_648 = vector.shape_cast %reduce_sum3A_647 : vector<128xf32> to vector<1x128xf32>
      %eq3A_649 = vector.broadcast %broadcast_in_dim3A_642 : vector<1x128xf32> to vector<128x128xf32>
      %eq3A_650 = arith.cmpf oeq, %dot_general3A_639, %eq3A_649 : vector<128x128xf32>
      %jit3A_651 = arith.constant 128 : i32
      %broadcast_in_dim3A_652 = vector.broadcast %jit3A_651 : i32 to vector<128x128xi32>
      %select_n3A_653 = arith.select %eq3A_650, %iota3A, %broadcast_in_dim3A_652 : vector<128x128xi1>, vector<128x128xi32>
      %reduce_min3A_654 = arith.constant dense<2147483647> : vector<128xi32>
      %reduce_min3A_655 = vector.multi_reduction <minsi>, %select_n3A_653, %reduce_min3A_654 [0] : vector<128x128xi32> to vector<128xi32>
      %broadcast_in_dim3A_656 = vector.shape_cast %reduce_min3A_655 : vector<128xi32> to vector<1x128xi32>
      %log3A_657 = math.log %broadcast_in_dim3A_648 : vector<1x128xf32>
      %neg3A_658 = arith.constant 0.000000e+00 : f32
      %neg3A_659 = vector.broadcast %neg3A_658 : f32 to vector<1x128xf32>
      %neg3A_660 = arith.subf %neg3A_659, %log3A_657 : vector<1x128xf32>
      %mul3A_661 = arith.mulf %exp3A_645, %sub3A_644 : vector<128x128xf32>
      %reduce_sum3A_662 = arith.constant dense<0.000000e+00> : vector<128xf32>
      %reduce_sum3A_663 = vector.multi_reduction <add>, %mul3A_661, %reduce_sum3A_662 [0] : vector<128x128xf32> to vector<128xf32>
      %broadcast_in_dim3A_664 = vector.shape_cast %reduce_sum3A_663 : vector<128xf32> to vector<1x128xf32>
      %div3A_665 = arith.divf %broadcast_in_dim3A_664, %broadcast_in_dim3A_648 : vector<1x128xf32>
      %sub3A_666 = arith.subf %log3A_657, %div3A_665 : vector<1x128xf32>
      %swap3A_667 = arith.index_cast %scan3A_634 : i32 to index
      %swap3A_668 = arith.constant 0 : index
      %swap3A_669 = vector.load %arg8[%swap3A_667, %swap3A_668] : memref<512x128xi32, #tpu.memory_space<vmem>>, vector<1x128xi32>
      tpu.vector_store %arg8[%swap3A_667, %swap3A_668], %broadcast_in_dim3A_656 {strides = array<i32>} : memref<512x128xi32, #tpu.memory_space<vmem>>, vector<1x128xi32>,
      %swap3A_670 = arith.index_cast %scan3A_634 : i32 to index
      %swap3A_671 = arith.constant 0 : index
      %swap3A_672 = vector.load %arg9[%swap3A_670, %swap3A_671] : memref<512x128xf32, #tpu.memory_space<vmem>>, vector<1x128xf32>
      tpu.vector_store %arg9[%swap3A_670, %swap3A_671], %neg3A_660 {strides = array<i32>} : memref<512x128xf32, #tpu.memory_space<vmem>>, vector<1x128xf32>,
      %swap3A_673 = arith.index_cast %scan3A_634 : i32 to index
      %swap3A_674 = arith.constant 0 : index
      %swap3A_675 = vector.load %arg10[%swap3A_673, %swap3A_674] : memref<512x128xf32, #tpu.memory_space<vmem>>, vector<1x128xf32>
      tpu.vector_store %arg10[%swap3A_673, %swap3A_674], %sub3A_666 {strides = array<i32>} : memref<512x128xf32, #tpu.memory_space<vmem>>, vector<1x128xf32>,
      %scan3A_676 = arith.constant 12 : i32
      %scan3A_677 = arith.addi %scan3A_165, %scan3A_676 : i32
      %dot_general3A_678 = arith.constant dense<0.000000e+00> : vector<512x128xf32>
      %dot_general3A_679 = tpu.matmul %get3A_8, %tanh3A_637, %dot_general3A_678 {dimension_numbers = #tpu.dot_dimension_numbers<[0], [0], [1], [1], [0, 1, 1, 1], [], []>, transpose_lhs_hint = false} : vector<512x512xf32>, vector<512x128xf32>, vector<512x128xf32> -> vector<512x128xf32>
      %tanh3A_680 = math.tanh %dot_general3A_679 : vector<512x128xf32>
      %dot_general3A_681 = arith.constant dense<0.000000e+00> : vector<128x128xf32>
      %dot_general3A_682 = tpu.matmul %get3A_11, %tanh3A_680, %dot_general3A_681 {dimension_numbers = #tpu.dot_dimension_numbers<[0], [0], [1], [1], [0, 1, 1, 1], [], []>, transpose_lhs_hint = false} : vector<512x128xf32>, vector<512x128xf32>, vector<128x128xf32> -> vector<128x128xf32>
      %reduce_max3A_683 = arith.constant dense<0xFF800000> : vector<128xf32>
      %reduce_max3A_684 = vector.multi_reduction <maximumf>, %dot_general3A_682, %reduce_max3A_683 [0] : vector<128x128xf32> to vector<128xf32>
      %broadcast_in_dim3A_685 = vector.shape_cast %reduce_max3A_684 : vector<128xf32> to vector<1x128xf32>
      %sub3A_686 = vector.broadcast %broadcast_in_dim3A_685 : vector<1x128xf32> to vector<128x128xf32>
      %sub3A_687 = arith.subf %dot_general3A_682, %sub3A_686 : vector<128x128xf32>
      %exp3A_688 = math.exp %sub3A_687 : vector<128x128xf32>
      %reduce_sum3A_689 = arith.constant dense<0.000000e+00> : vector<128xf32>
      %reduce_sum3A_690 = vector.multi_reduction <add>, %exp3A_688, %reduce_sum3A_689 [0] : vector<128x128xf32> to vector<128xf32>
      %broadcast_in_dim3A_691 = vector.shape_cast %reduce_sum3A_690 : vector<128xf32> to vector<1x128xf32>
      %eq3A_692 = vector.broadcast %broadcast_in_dim3A_685 : vector<1x128xf32> to vector<128x128xf32>
      %eq3A_693 = arith.cmpf oeq, %dot_general3A_682, %eq3A_692 : vector<128x128xf32>
      %jit3A_694 = arith.constant 128 : i32
      %broadcast_in_dim3A_695 = vector.broadcast %jit3A_694 : i32 to vector<128x128xi32>
      %select_n3A_696 = arith.select %eq3A_693, %iota3A, %broadcast_in_dim3A_695 : vector<128x128xi1>, vector<128x128xi32>
      %reduce_min3A_697 = arith.constant dense<2147483647> : vector<128xi32>
      %reduce_min3A_698 = vector.multi_reduction <minsi>, %select_n3A_696, %reduce_min3A_697 [0] : vector<128x128xi32> to vector<128xi32>
      %broadcast_in_dim3A_699 = vector.shape_cast %reduce_min3A_698 : vector<128xi32> to vector<1x128xi32>
      %log3A_700 = math.log %broadcast_in_dim3A_691 : vector<1x128xf32>
      %neg3A_701 = arith.constant 0.000000e+00 : f32
      %neg3A_702 = vector.broadcast %neg3A_701 : f32 to vector<1x128xf32>
      %neg3A_703 = arith.subf %neg3A_702, %log3A_700 : vector<1x128xf32>
      %mul3A_704 = arith.mulf %exp3A_688, %sub3A_687 : vector<128x128xf32>
      %reduce_sum3A_705 = arith.constant dense<0.000000e+00> : vector<128xf32>
      %reduce_sum3A_706 = vector.multi_reduction <add>, %mul3A_704, %reduce_sum3A_705 [0] : vector<128x128xf32> to vector<128xf32>
      %broadcast_in_dim3A_707 = vector.shape_cast %reduce_sum3A_706 : vector<128xf32> to vector<1x128xf32>
      %div3A_708 = arith.divf %broadcast_in_dim3A_707, %broadcast_in_dim3A_691 : vector<1x128xf32>
      %sub3A_709 = arith.subf %log3A_700, %div3A_708 : vector<1x128xf32>
      %swap3A_710 = arith.index_cast %scan3A_677 : i32 to index
      %swap3A_711 = arith.constant 0 : index
      %swap3A_712 = vector.load %arg8[%swap3A_710, %swap3A_711] : memref<512x128xi32, #tpu.memory_space<vmem>>, vector<1x128xi32>
      tpu.vector_store %arg8[%swap3A_710, %swap3A_711], %broadcast_in_dim3A_699 {strides = array<i32>} : memref<512x128xi32, #tpu.memory_space<vmem>>, vector<1x128xi32>,
      %swap3A_713 = arith.index_cast %scan3A_677 : i32 to index
      %swap3A_714 = arith.constant 0 : index
      %swap3A_715 = vector.load %arg9[%swap3A_713, %swap3A_714] : memref<512x128xf32, #tpu.memory_space<vmem>>, vector<1x128xf32>
      tpu.vector_store %arg9[%swap3A_713, %swap3A_714], %neg3A_703 {strides = array<i32>} : memref<512x128xf32, #tpu.memory_space<vmem>>, vector<1x128xf32>,
      %swap3A_716 = arith.index_cast %scan3A_677 : i32 to index
      %swap3A_717 = arith.constant 0 : index
      %swap3A_718 = vector.load %arg10[%swap3A_716, %swap3A_717] : memref<512x128xf32, #tpu.memory_space<vmem>>, vector<1x128xf32>
      tpu.vector_store %arg10[%swap3A_716, %swap3A_717], %sub3A_709 {strides = array<i32>} : memref<512x128xf32, #tpu.memory_space<vmem>>, vector<1x128xf32>,
      %scan3A_719 = arith.constant 13 : i32
      %scan3A_720 = arith.addi %scan3A_165, %scan3A_719 : i32
      %dot_general3A_721 = arith.constant dense<0.000000e+00> : vector<512x128xf32>
      %dot_general3A_722 = tpu.matmul %get3A_8, %tanh3A_680, %dot_general3A_721 {dimension_numbers = #tpu.dot_dimension_numbers<[0], [0], [1], [1], [0, 1, 1, 1], [], []>, transpose_lhs_hint = false} : vector<512x512xf32>, vector<512x128xf32>, vector<512x128xf32> -> vector<512x128xf32>
      %tanh3A_723 = math.tanh %dot_general3A_722 : vector<512x128xf32>
      %dot_general3A_724 = arith.constant dense<0.000000e+00> : vector<128x128xf32>
      %dot_general3A_725 = tpu.matmul %get3A_11, %tanh3A_723, %dot_general3A_724 {dimension_numbers = #tpu.dot_dimension_numbers<[0], [0], [1], [1], [0, 1, 1, 1], [], []>, transpose_lhs_hint = false} : vector<512x128xf32>, vector<512x128xf32>, vector<128x128xf32> -> vector<128x128xf32>
      %reduce_max3A_726 = arith.constant dense<0xFF800000> : vector<128xf32>
      %reduce_max3A_727 = vector.multi_reduction <maximumf>, %dot_general3A_725, %reduce_max3A_726 [0] : vector<128x128xf32> to vector<128xf32>
      %broadcast_in_dim3A_728 = vector.shape_cast %reduce_max3A_727 : vector<128xf32> to vector<1x128xf32>
      %sub3A_729 = vector.broadcast %broadcast_in_dim3A_728 : vector<1x128xf32> to vector<128x128xf32>
      %sub3A_730 = arith.subf %dot_general3A_725, %sub3A_729 : vector<128x128xf32>
      %exp3A_731 = math.exp %sub3A_730 : vector<128x128xf32>
      %reduce_sum3A_732 = arith.constant dense<0.000000e+00> : vector<128xf32>
      %reduce_sum3A_733 = vector.multi_reduction <add>, %exp3A_731, %reduce_sum3A_732 [0] : vector<128x128xf32> to vector<128xf32>
      %broadcast_in_dim3A_734 = vector.shape_cast %reduce_sum3A_733 : vector<128xf32> to vector<1x128xf32>
      %eq3A_735 = vector.broadcast %broadcast_in_dim3A_728 : vector<1x128xf32> to vector<128x128xf32>
      %eq3A_736 = arith.cmpf oeq, %dot_general3A_725, %eq3A_735 : vector<128x128xf32>
      %jit3A_737 = arith.constant 128 : i32
      %broadcast_in_dim3A_738 = vector.broadcast %jit3A_737 : i32 to vector<128x128xi32>
      %select_n3A_739 = arith.select %eq3A_736, %iota3A, %broadcast_in_dim3A_738 : vector<128x128xi1>, vector<128x128xi32>
      %reduce_min3A_740 = arith.constant dense<2147483647> : vector<128xi32>
      %reduce_min3A_741 = vector.multi_reduction <minsi>, %select_n3A_739, %reduce_min3A_740 [0] : vector<128x128xi32> to vector<128xi32>
      %broadcast_in_dim3A_742 = vector.shape_cast %reduce_min3A_741 : vector<128xi32> to vector<1x128xi32>
      %log3A_743 = math.log %broadcast_in_dim3A_734 : vector<1x128xf32>
      %neg3A_744 = arith.constant 0.000000e+00 : f32
      %neg3A_745 = vector.broadcast %neg3A_744 : f32 to vector<1x128xf32>
      %neg3A_746 = arith.subf %neg3A_745, %log3A_743 : vector<1x128xf32>
      %mul3A_747 = arith.mulf %exp3A_731, %sub3A_730 : vector<128x128xf32>
      %reduce_sum3A_748 = arith.constant dense<0.000000e+00> : vector<128xf32>
      %reduce_sum3A_749 = vector.multi_reduction <add>, %mul3A_747, %reduce_sum3A_748 [0] : vector<128x128xf32> to vector<128xf32>
      %broadcast_in_dim3A_750 = vector.shape_cast %reduce_sum3A_749 : vector<128xf32> to vector<1x128xf32>
      %div3A_751 = arith.divf %broadcast_in_dim3A_750, %broadcast_in_dim3A_734 : vector<1x128xf32>
      %sub3A_752 = arith.subf %log3A_743, %div3A_751 : vector<1x128xf32>
      %swap3A_753 = arith.index_cast %scan3A_720 : i32 to index
      %swap3A_754 = arith.constant 0 : index
      %swap3A_755 = vector.load %arg8[%swap3A_753, %swap3A_754] : memref<512x128xi32, #tpu.memory_space<vmem>>, vector<1x128xi32>
      tpu.vector_store %arg8[%swap3A_753, %swap3A_754], %broadcast_in_dim3A_742 {strides = array<i32>} : memref<512x128xi32, #tpu.memory_space<vmem>>, vector<1x128xi32>,
      %swap3A_756 = arith.index_cast %scan3A_720 : i32 to index
      %swap3A_757 = arith.constant 0 : index
      %swap3A_758 = vector.load %arg9[%swap3A_756, %swap3A_757] : memref<512x128xf32, #tpu.memory_space<vmem>>, vector<1x128xf32>
      tpu.vector_store %arg9[%swap3A_756, %swap3A_757], %neg3A_746 {strides = array<i32>} : memref<512x128xf32, #tpu.memory_space<vmem>>, vector<1x128xf32>,
      %swap3A_759 = arith.index_cast %scan3A_720 : i32 to index
      %swap3A_760 = arith.constant 0 : index
      %swap3A_761 = vector.load %arg10[%swap3A_759, %swap3A_760] : memref<512x128xf32, #tpu.memory_space<vmem>>, vector<1x128xf32>
      tpu.vector_store %arg10[%swap3A_759, %swap3A_760], %sub3A_752 {strides = array<i32>} : memref<512x128xf32, #tpu.memory_space<vmem>>, vector<1x128xf32>,
      %scan3A_762 = arith.constant 14 : i32
      %scan3A_763 = arith.addi %scan3A_165, %scan3A_762 : i32
      %dot_general3A_764 = arith.constant dense<0.000000e+00> : vector<512x128xf32>
      %dot_general3A_765 = tpu.matmul %get3A_8, %tanh3A_723, %dot_general3A_764 {dimension_numbers = #tpu.dot_dimension_numbers<[0], [0], [1], [1], [0, 1, 1, 1], [], []>, transpose_lhs_hint = false} : vector<512x512xf32>, vector<512x128xf32>, vector<512x128xf32> -> vector<512x128xf32>
      %tanh3A_766 = math.tanh %dot_general3A_765 : vector<512x128xf32>
      %dot_general3A_767 = arith.constant dense<0.000000e+00> : vector<128x128xf32>
      %dot_general3A_768 = tpu.matmul %get3A_11, %tanh3A_766, %dot_general3A_767 {dimension_numbers = #tpu.dot_dimension_numbers<[0], [0], [1], [1], [0, 1, 1, 1], [], []>, transpose_lhs_hint = false} : vector<512x128xf32>, vector<512x128xf32>, vector<128x128xf32> -> vector<128x128xf32>
      %reduce_max3A_769 = arith.constant dense<0xFF800000> : vector<128xf32>
      %reduce_max3A_770 = vector.multi_reduction <maximumf>, %dot_general3A_768, %reduce_max3A_769 [0] : vector<128x128xf32> to vector<128xf32>
      %broadcast_in_dim3A_771 = vector.shape_cast %reduce_max3A_770 : vector<128xf32> to vector<1x128xf32>
      %sub3A_772 = vector.broadcast %broadcast_in_dim3A_771 : vector<1x128xf32> to vector<128x128xf32>
      %sub3A_773 = arith.subf %dot_general3A_768, %sub3A_772 : vector<128x128xf32>
      %exp3A_774 = math.exp %sub3A_773 : vector<128x128xf32>
      %reduce_sum3A_775 = arith.constant dense<0.000000e+00> : vector<128xf32>
      %reduce_sum3A_776 = vector.multi_reduction <add>, %exp3A_774, %reduce_sum3A_775 [0] : vector<128x128xf32> to vector<128xf32>
      %broadcast_in_dim3A_777 = vector.shape_cast %reduce_sum3A_776 : vector<128xf32> to vector<1x128xf32>
      %eq3A_778 = vector.broadcast %broadcast_in_dim3A_771 : vector<1x128xf32> to vector<128x128xf32>
      %eq3A_779 = arith.cmpf oeq, %dot_general3A_768, %eq3A_778 : vector<128x128xf32>
      %jit3A_780 = arith.constant 128 : i32
      %broadcast_in_dim3A_781 = vector.broadcast %jit3A_780 : i32 to vector<128x128xi32>
      %select_n3A_782 = arith.select %eq3A_779, %iota3A, %broadcast_in_dim3A_781 : vector<128x128xi1>, vector<128x128xi32>
      %reduce_min3A_783 = arith.constant dense<2147483647> : vector<128xi32>
      %reduce_min3A_784 = vector.multi_reduction <minsi>, %select_n3A_782, %reduce_min3A_783 [0] : vector<128x128xi32> to vector<128xi32>
      %broadcast_in_dim3A_785 = vector.shape_cast %reduce_min3A_784 : vector<128xi32> to vector<1x128xi32>
      %log3A_786 = math.log %broadcast_in_dim3A_777 : vector<1x128xf32>
      %neg3A_787 = arith.constant 0.000000e+00 : f32
      %neg3A_788 = vector.broadcast %neg3A_787 : f32 to vector<1x128xf32>
      %neg3A_789 = arith.subf %neg3A_788, %log3A_786 : vector<1x128xf32>
      %mul3A_790 = arith.mulf %exp3A_774, %sub3A_773 : vector<128x128xf32>
      %reduce_sum3A_791 = arith.constant dense<0.000000e+00> : vector<128xf32>
      %reduce_sum3A_792 = vector.multi_reduction <add>, %mul3A_790, %reduce_sum3A_791 [0] : vector<128x128xf32> to vector<128xf32>
      %broadcast_in_dim3A_793 = vector.shape_cast %reduce_sum3A_792 : vector<128xf32> to vector<1x128xf32>
      %div3A_794 = arith.divf %broadcast_in_dim3A_793, %broadcast_in_dim3A_777 : vector<1x128xf32>
      %sub3A_795 = arith.subf %log3A_786, %div3A_794 : vector<1x128xf32>
      %swap3A_796 = arith.index_cast %scan3A_763 : i32 to index
      %swap3A_797 = arith.constant 0 : index
      %swap3A_798 = vector.load %arg8[%swap3A_796, %swap3A_797] : memref<512x128xi32, #tpu.memory_space<vmem>>, vector<1x128xi32>
      tpu.vector_store %arg8[%swap3A_796, %swap3A_797], %broadcast_in_dim3A_785 {strides = array<i32>} : memref<512x128xi32, #tpu.memory_space<vmem>>, vector<1x128xi32>,
      %swap3A_799 = arith.index_cast %scan3A_763 : i32 to index
      %swap3A_800 = arith.constant 0 : index
      %swap3A_801 = vector.load %arg9[%swap3A_799, %swap3A_800] : memref<512x128xf32, #tpu.memory_space<vmem>>, vector<1x128xf32>
      tpu.vector_store %arg9[%swap3A_799, %swap3A_800], %neg3A_789 {strides = array<i32>} : memref<512x128xf32, #tpu.memory_space<vmem>>, vector<1x128xf32>,
      %swap3A_802 = arith.index_cast %scan3A_763 : i32 to index
      %swap3A_803 = arith.constant 0 : index
      %swap3A_804 = vector.load %arg10[%swap3A_802, %swap3A_803] : memref<512x128xf32, #tpu.memory_space<vmem>>, vector<1x128xf32>
      tpu.vector_store %arg10[%swap3A_802, %swap3A_803], %sub3A_795 {strides = array<i32>} : memref<512x128xf32, #tpu.memory_space<vmem>>, vector<1x128xf32>,
      %scan3A_805 = arith.constant 15 : i32
      %scan3A_806 = arith.addi %scan3A_165, %scan3A_805 : i32
      %dot_general3A_807 = arith.constant dense<0.000000e+00> : vector<512x128xf32>
      %dot_general3A_808 = tpu.matmul %get3A_8, %tanh3A_766, %dot_general3A_807 {dimension_numbers = #tpu.dot_dimension_numbers<[0], [0], [1], [1], [0, 1, 1, 1], [], []>, transpose_lhs_hint = false} : vector<512x512xf32>, vector<512x128xf32>, vector<512x128xf32> -> vector<512x128xf32>
      %tanh3A_809 = math.tanh %dot_general3A_808 : vector<512x128xf32>
      %dot_general3A_810 = arith.constant dense<0.000000e+00> : vector<128x128xf32>
      %dot_general3A_811 = tpu.matmul %get3A_11, %tanh3A_809, %dot_general3A_810 {dimension_numbers = #tpu.dot_dimension_numbers<[0], [0], [1], [1], [0, 1, 1, 1], [], []>, transpose_lhs_hint = false} : vector<512x128xf32>, vector<512x128xf32>, vector<128x128xf32> -> vector<128x128xf32>
      %reduce_max3A_812 = arith.constant dense<0xFF800000> : vector<128xf32>
      %reduce_max3A_813 = vector.multi_reduction <maximumf>, %dot_general3A_811, %reduce_max3A_812 [0] : vector<128x128xf32> to vector<128xf32>
      %broadcast_in_dim3A_814 = vector.shape_cast %reduce_max3A_813 : vector<128xf32> to vector<1x128xf32>
      %sub3A_815 = vector.broadcast %broadcast_in_dim3A_814 : vector<1x128xf32> to vector<128x128xf32>
      %sub3A_816 = arith.subf %dot_general3A_811, %sub3A_815 : vector<128x128xf32>
      %exp3A_817 = math.exp %sub3A_816 : vector<128x128xf32>
      %reduce_sum3A_818 = arith.constant dense<0.000000e+00> : vector<128xf32>
      %reduce_sum3A_819 = vector.multi_reduction <add>, %exp3A_817, %reduce_sum3A_818 [0] : vector<128x128xf32> to vector<128xf32>
      %broadcast_in_dim3A_820 = vector.shape_cast %reduce_sum3A_819 : vector<128xf32> to vector<1x128xf32>
      %eq3A_821 = vector.broadcast %broadcast_in_dim3A_814 : vector<1x128xf32> to vector<128x128xf32>
      %eq3A_822 = arith.cmpf oeq, %dot_general3A_811, %eq3A_821 : vector<128x128xf32>
      %jit3A_823 = arith.constant 128 : i32
      %broadcast_in_dim3A_824 = vector.broadcast %jit3A_823 : i32 to vector<128x128xi32>
      %select_n3A_825 = arith.select %eq3A_822, %iota3A, %broadcast_in_dim3A_824 : vector<128x128xi1>, vector<128x128xi32>
      %reduce_min3A_826 = arith.constant dense<2147483647> : vector<128xi32>
      %reduce_min3A_827 = vector.multi_reduction <minsi>, %select_n3A_825, %reduce_min3A_826 [0] : vector<128x128xi32> to vector<128xi32>
      %broadcast_in_dim3A_828 = vector.shape_cast %reduce_min3A_827 : vector<128xi32> to vector<1x128xi32>
      %log3A_829 = math.log %broadcast_in_dim3A_820 : vector<1x128xf32>
      %neg3A_830 = arith.constant 0.000000e+00 : f32
      %neg3A_831 = vector.broadcast %neg3A_830 : f32 to vector<1x128xf32>
      %neg3A_832 = arith.subf %neg3A_831, %log3A_829 : vector<1x128xf32>
      %mul3A_833 = arith.mulf %exp3A_817, %sub3A_816 : vector<128x128xf32>
      %reduce_sum3A_834 = arith.constant dense<0.000000e+00> : vector<128xf32>
      %reduce_sum3A_835 = vector.multi_reduction <add>, %mul3A_833, %reduce_sum3A_834 [0] : vector<128x128xf32> to vector<128xf32>
      %broadcast_in_dim3A_836 = vector.shape_cast %reduce_sum3A_835 : vector<128xf32> to vector<1x128xf32>
      %div3A_837 = arith.divf %broadcast_in_dim3A_836, %broadcast_in_dim3A_820 : vector<1x128xf32>
      %sub3A_838 = arith.subf %log3A_829, %div3A_837 : vector<1x128xf32>
      %swap3A_839 = arith.index_cast %scan3A_806 : i32 to index
      %swap3A_840 = arith.constant 0 : index
      %swap3A_841 = vector.load %arg8[%swap3A_839, %swap3A_840] : memref<512x128xi32, #tpu.memory_space<vmem>>, vector<1x128xi32>
      tpu.vector_store %arg8[%swap3A_839, %swap3A_840], %broadcast_in_dim3A_828 {strides = array<i32>} : memref<512x128xi32, #tpu.memory_space<vmem>>, vector<1x128xi32>,
      %swap3A_842 = arith.index_cast %scan3A_806 : i32 to index
      %swap3A_843 = arith.constant 0 : index
      %swap3A_844 = vector.load %arg9[%swap3A_842, %swap3A_843] : memref<512x128xf32, #tpu.memory_space<vmem>>, vector<1x128xf32>
      tpu.vector_store %arg9[%swap3A_842, %swap3A_843], %neg3A_832 {strides = array<i32>} : memref<512x128xf32, #tpu.memory_space<vmem>>, vector<1x128xf32>,
      %swap3A_845 = arith.index_cast %scan3A_806 : i32 to index
      %swap3A_846 = arith.constant 0 : index
      %swap3A_847 = vector.load %arg10[%swap3A_845, %swap3A_846] : memref<512x128xf32, #tpu.memory_space<vmem>>, vector<1x128xf32>
      tpu.vector_store %arg10[%swap3A_845, %swap3A_846], %sub3A_838 {strides = array<i32>} : memref<512x128xf32, #tpu.memory_space<vmem>>, vector<1x128xf32>,
      %scan3A_848 = arith.constant 16 : i32
      %scan3A_849 = arith.addi %scan3A_165, %scan3A_848 : i32
      %dot_general3A_850 = arith.constant dense<0.000000e+00> : vector<512x128xf32>
      %dot_general3A_851 = tpu.matmul %get3A_8, %tanh3A_809, %dot_general3A_850 {dimension_numbers = #tpu.dot_dimension_numbers<[0], [0], [1], [1], [0, 1, 1, 1], [], []>, transpose_lhs_hint = false} : vector<512x512xf32>, vector<512x128xf32>, vector<512x128xf32> -> vector<512x128xf32>
      %tanh3A_852 = math.tanh %dot_general3A_851 : vector<512x128xf32>
      %dot_general3A_853 = arith.constant dense<0.000000e+00> : vector<128x128xf32>
      %dot_general3A_854 = tpu.matmul %get3A_11, %tanh3A_852, %dot_general3A_853 {dimension_numbers = #tpu.dot_dimension_numbers<[0], [0], [1], [1], [0, 1, 1, 1], [], []>, transpose_lhs_hint = false} : vector<512x128xf32>, vector<512x128xf32>, vector<128x128xf32> -> vector<128x128xf32>
      %reduce_max3A_855 = arith.constant dense<0xFF800000> : vector<128xf32>
      %reduce_max3A_856 = vector.multi_reduction <maximumf>, %dot_general3A_854, %reduce_max3A_855 [0] : vector<128x128xf32> to vector<128xf32>
      %broadcast_in_dim3A_857 = vector.shape_cast %reduce_max3A_856 : vector<128xf32> to vector<1x128xf32>
      %sub3A_858 = vector.broadcast %broadcast_in_dim3A_857 : vector<1x128xf32> to vector<128x128xf32>
      %sub3A_859 = arith.subf %dot_general3A_854, %sub3A_858 : vector<128x128xf32>
      %exp3A_860 = math.exp %sub3A_859 : vector<128x128xf32>
      %reduce_sum3A_861 = arith.constant dense<0.000000e+00> : vector<128xf32>
      %reduce_sum3A_862 = vector.multi_reduction <add>, %exp3A_860, %reduce_sum3A_861 [0] : vector<128x128xf32> to vector<128xf32>
      %broadcast_in_dim3A_863 = vector.shape_cast %reduce_sum3A_862 : vector<128xf32> to vector<1x128xf32>
      %eq3A_864 = vector.broadcast %broadcast_in_dim3A_857 : vector<1x128xf32> to vector<128x128xf32>
      %eq3A_865 = arith.cmpf oeq, %dot_general3A_854, %eq3A_864 : vector<128x128xf32>
      %jit3A_866 = arith.constant 128 : i32
      %broadcast_in_dim3A_867 = vector.broadcast %jit3A_866 : i32 to vector<128x128xi32>
      %select_n3A_868 = arith.select %eq3A_865, %iota3A, %broadcast_in_dim3A_867 : vector<128x128xi1>, vector<128x128xi32>
      %reduce_min3A_869 = arith.constant dense<2147483647> : vector<128xi32>
      %reduce_min3A_870 = vector.multi_reduction <minsi>, %select_n3A_868, %reduce_min3A_869 [0] : vector<128x128xi32> to vector<128xi32>
      %broadcast_in_dim3A_871 = vector.shape_cast %reduce_min3A_870 : vector<128xi32> to vector<1x128xi32>
      %log3A_872 = math.log %broadcast_in_dim3A_863 : vector<1x128xf32>
      %neg3A_873 = arith.constant 0.000000e+00 : f32
      %neg3A_874 = vector.broadcast %neg3A_873 : f32 to vector<1x128xf32>
      %neg3A_875 = arith.subf %neg3A_874, %log3A_872 : vector<1x128xf32>
      %mul3A_876 = arith.mulf %exp3A_860, %sub3A_859 : vector<128x128xf32>
      %reduce_sum3A_877 = arith.constant dense<0.000000e+00> : vector<128xf32>
      %reduce_sum3A_878 = vector.multi_reduction <add>, %mul3A_876, %reduce_sum3A_877 [0] : vector<128x128xf32> to vector<128xf32>
      %broadcast_in_dim3A_879 = vector.shape_cast %reduce_sum3A_878 : vector<128xf32> to vector<1x128xf32>
      %div3A_880 = arith.divf %broadcast_in_dim3A_879, %broadcast_in_dim3A_863 : vector<1x128xf32>
      %sub3A_881 = arith.subf %log3A_872, %div3A_880 : vector<1x128xf32>
      %swap3A_882 = arith.index_cast %scan3A_849 : i32 to index
      %swap3A_883 = arith.constant 0 : index
      %swap3A_884 = vector.load %arg8[%swap3A_882, %swap3A_883] : memref<512x128xi32, #tpu.memory_space<vmem>>, vector<1x128xi32>
      tpu.vector_store %arg8[%swap3A_882, %swap3A_883], %broadcast_in_dim3A_871 {strides = array<i32>} : memref<512x128xi32, #tpu.memory_space<vmem>>, vector<1x128xi32>,
      %swap3A_885 = arith.index_cast %scan3A_849 : i32 to index
      %swap3A_886 = arith.constant 0 : index
      %swap3A_887 = vector.load %arg9[%swap3A_885, %swap3A_886] : memref<512x128xf32, #tpu.memory_space<vmem>>, vector<1x128xf32>
      tpu.vector_store %arg9[%swap3A_885, %swap3A_886], %neg3A_875 {strides = array<i32>} : memref<512x128xf32, #tpu.memory_space<vmem>>, vector<1x128xf32>,
      %swap3A_888 = arith.index_cast %scan3A_849 : i32 to index
      %swap3A_889 = arith.constant 0 : index
      %swap3A_890 = vector.load %arg10[%swap3A_888, %swap3A_889] : memref<512x128xf32, #tpu.memory_space<vmem>>, vector<1x128xf32>
      tpu.vector_store %arg10[%swap3A_888, %swap3A_889], %sub3A_881 {strides = array<i32>} : memref<512x128xf32, #tpu.memory_space<vmem>>, vector<1x128xf32>,
      %scan3A_891 = arith.constant 17 : i32
      %scan3A_892 = arith.addi %scan3A_165, %scan3A_891 : i32
      %dot_general3A_893 = arith.constant dense<0.000000e+00> : vector<512x128xf32>
      %dot_general3A_894 = tpu.matmul %get3A_8, %tanh3A_852, %dot_general3A_893 {dimension_numbers = #tpu.dot_dimension_numbers<[0], [0], [1], [1], [0, 1, 1, 1], [], []>, transpose_lhs_hint = false} : vector<512x512xf32>, vector<512x128xf32>, vector<512x128xf32> -> vector<512x128xf32>
      %tanh3A_895 = math.tanh %dot_general3A_894 : vector<512x128xf32>
      %dot_general3A_896 = arith.constant dense<0.000000e+00> : vector<128x128xf32>
      %dot_general3A_897 = tpu.matmul %get3A_11, %tanh3A_895, %dot_general3A_896 {dimension_numbers = #tpu.dot_dimension_numbers<[0], [0], [1], [1], [0, 1, 1, 1], [], []>, transpose_lhs_hint = false} : vector<512x128xf32>, vector<512x128xf32>, vector<128x128xf32> -> vector<128x128xf32>
      %reduce_max3A_898 = arith.constant dense<0xFF800000> : vector<128xf32>
      %reduce_max3A_899 = vector.multi_reduction <maximumf>, %dot_general3A_897, %reduce_max3A_898 [0] : vector<128x128xf32> to vector<128xf32>
      %broadcast_in_dim3A_900 = vector.shape_cast %reduce_max3A_899 : vector<128xf32> to vector<1x128xf32>
      %sub3A_901 = vector.broadcast %broadcast_in_dim3A_900 : vector<1x128xf32> to vector<128x128xf32>
      %sub3A_902 = arith.subf %dot_general3A_897, %sub3A_901 : vector<128x128xf32>
      %exp3A_903 = math.exp %sub3A_902 : vector<128x128xf32>
      %reduce_sum3A_904 = arith.constant dense<0.000000e+00> : vector<128xf32>
      %reduce_sum3A_905 = vector.multi_reduction <add>, %exp3A_903, %reduce_sum3A_904 [0] : vector<128x128xf32> to vector<128xf32>
      %broadcast_in_dim3A_906 = vector.shape_cast %reduce_sum3A_905 : vector<128xf32> to vector<1x128xf32>
      %eq3A_907 = vector.broadcast %broadcast_in_dim3A_900 : vector<1x128xf32> to vector<128x128xf32>
      %eq3A_908 = arith.cmpf oeq, %dot_general3A_897, %eq3A_907 : vector<128x128xf32>
      %jit3A_909 = arith.constant 128 : i32
      %broadcast_in_dim3A_910 = vector.broadcast %jit3A_909 : i32 to vector<128x128xi32>
      %select_n3A_911 = arith.select %eq3A_908, %iota3A, %broadcast_in_dim3A_910 : vector<128x128xi1>, vector<128x128xi32>
      %reduce_min3A_912 = arith.constant dense<2147483647> : vector<128xi32>
      %reduce_min3A_913 = vector.multi_reduction <minsi>, %select_n3A_911, %reduce_min3A_912 [0] : vector<128x128xi32> to vector<128xi32>
      %broadcast_in_dim3A_914 = vector.shape_cast %reduce_min3A_913 : vector<128xi32> to vector<1x128xi32>
      %log3A_915 = math.log %broadcast_in_dim3A_906 : vector<1x128xf32>
      %neg3A_916 = arith.constant 0.000000e+00 : f32
      %neg3A_917 = vector.broadcast %neg3A_916 : f32 to vector<1x128xf32>
      %neg3A_918 = arith.subf %neg3A_917, %log3A_915 : vector<1x128xf32>
      %mul3A_919 = arith.mulf %exp3A_903, %sub3A_902 : vector<128x128xf32>
      %reduce_sum3A_920 = arith.constant dense<0.000000e+00> : vector<128xf32>
      %reduce_sum3A_921 = vector.multi_reduction <add>, %mul3A_919, %reduce_sum3A_920 [0] : vector<128x128xf32> to vector<128xf32>
      %broadcast_in_dim3A_922 = vector.shape_cast %reduce_sum3A_921 : vector<128xf32> to vector<1x128xf32>
      %div3A_923 = arith.divf %broadcast_in_dim3A_922, %broadcast_in_dim3A_906 : vector<1x128xf32>
      %sub3A_924 = arith.subf %log3A_915, %div3A_923 : vector<1x128xf32>
      %swap3A_925 = arith.index_cast %scan3A_892 : i32 to index
      %swap3A_926 = arith.constant 0 : index
      %swap3A_927 = vector.load %arg8[%swap3A_925, %swap3A_926] : memref<512x128xi32, #tpu.memory_space<vmem>>, vector<1x128xi32>
      tpu.vector_store %arg8[%swap3A_925, %swap3A_926], %broadcast_in_dim3A_914 {strides = array<i32>} : memref<512x128xi32, #tpu.memory_space<vmem>>, vector<1x128xi32>,
      %swap3A_928 = arith.index_cast %scan3A_892 : i32 to index
      %swap3A_929 = arith.constant 0 : index
      %swap3A_930 = vector.load %arg9[%swap3A_928, %swap3A_929] : memref<512x128xf32, #tpu.memory_space<vmem>>, vector<1x128xf32>
      tpu.vector_store %arg9[%swap3A_928, %swap3A_929], %neg3A_918 {strides = array<i32>} : memref<512x128xf32, #tpu.memory_space<vmem>>, vector<1x128xf32>,
      %swap3A_931 = arith.index_cast %scan3A_892 : i32 to index
      %swap3A_932 = arith.constant 0 : index
      %swap3A_933 = vector.load %arg10[%swap3A_931, %swap3A_932] : memref<512x128xf32, #tpu.memory_space<vmem>>, vector<1x128xf32>
      tpu.vector_store %arg10[%swap3A_931, %swap3A_932], %sub3A_924 {strides = array<i32>} : memref<512x128xf32, #tpu.memory_space<vmem>>, vector<1x128xf32>,
      %scan3A_934 = arith.constant 18 : i32
      %scan3A_935 = arith.addi %scan3A_165, %scan3A_934 : i32
      %dot_general3A_936 = arith.constant dense<0.000000e+00> : vector<512x128xf32>
      %dot_general3A_937 = tpu.matmul %get3A_8, %tanh3A_895, %dot_general3A_936 {dimension_numbers = #tpu.dot_dimension_numbers<[0], [0], [1], [1], [0, 1, 1, 1], [], []>, transpose_lhs_hint = false} : vector<512x512xf32>, vector<512x128xf32>, vector<512x128xf32> -> vector<512x128xf32>
      %tanh3A_938 = math.tanh %dot_general3A_937 : vector<512x128xf32>
      %dot_general3A_939 = arith.constant dense<0.000000e+00> : vector<128x128xf32>
      %dot_general3A_940 = tpu.matmul %get3A_11, %tanh3A_938, %dot_general3A_939 {dimension_numbers = #tpu.dot_dimension_numbers<[0], [0], [1], [1], [0, 1, 1, 1], [], []>, transpose_lhs_hint = false} : vector<512x128xf32>, vector<512x128xf32>, vector<128x128xf32> -> vector<128x128xf32>
      %reduce_max3A_941 = arith.constant dense<0xFF800000> : vector<128xf32>
      %reduce_max3A_942 = vector.multi_reduction <maximumf>, %dot_general3A_940, %reduce_max3A_941 [0] : vector<128x128xf32> to vector<128xf32>
      %broadcast_in_dim3A_943 = vector.shape_cast %reduce_max3A_942 : vector<128xf32> to vector<1x128xf32>
      %sub3A_944 = vector.broadcast %broadcast_in_dim3A_943 : vector<1x128xf32> to vector<128x128xf32>
      %sub3A_945 = arith.subf %dot_general3A_940, %sub3A_944 : vector<128x128xf32>
      %exp3A_946 = math.exp %sub3A_945 : vector<128x128xf32>
      %reduce_sum3A_947 = arith.constant dense<0.000000e+00> : vector<128xf32>
      %reduce_sum3A_948 = vector.multi_reduction <add>, %exp3A_946, %reduce_sum3A_947 [0] : vector<128x128xf32> to vector<128xf32>
      %broadcast_in_dim3A_949 = vector.shape_cast %reduce_sum3A_948 : vector<128xf32> to vector<1x128xf32>
      %eq3A_950 = vector.broadcast %broadcast_in_dim3A_943 : vector<1x128xf32> to vector<128x128xf32>
      %eq3A_951 = arith.cmpf oeq, %dot_general3A_940, %eq3A_950 : vector<128x128xf32>
      %jit3A_952 = arith.constant 128 : i32
      %broadcast_in_dim3A_953 = vector.broadcast %jit3A_952 : i32 to vector<128x128xi32>
      %select_n3A_954 = arith.select %eq3A_951, %iota3A, %broadcast_in_dim3A_953 : vector<128x128xi1>, vector<128x128xi32>
      %reduce_min3A_955 = arith.constant dense<2147483647> : vector<128xi32>
      %reduce_min3A_956 = vector.multi_reduction <minsi>, %select_n3A_954, %reduce_min3A_955 [0] : vector<128x128xi32> to vector<128xi32>
      %broadcast_in_dim3A_957 = vector.shape_cast %reduce_min3A_956 : vector<128xi32> to vector<1x128xi32>
      %log3A_958 = math.log %broadcast_in_dim3A_949 : vector<1x128xf32>
      %neg3A_959 = arith.constant 0.000000e+00 : f32
      %neg3A_960 = vector.broadcast %neg3A_959 : f32 to vector<1x128xf32>
      %neg3A_961 = arith.subf %neg3A_960, %log3A_958 : vector<1x128xf32>
      %mul3A_962 = arith.mulf %exp3A_946, %sub3A_945 : vector<128x128xf32>
      %reduce_sum3A_963 = arith.constant dense<0.000000e+00> : vector<128xf32>
      %reduce_sum3A_964 = vector.multi_reduction <add>, %mul3A_962, %reduce_sum3A_963 [0] : vector<128x128xf32> to vector<128xf32>
      %broadcast_in_dim3A_965 = vector.shape_cast %reduce_sum3A_964 : vector<128xf32> to vector<1x128xf32>
      %div3A_966 = arith.divf %broadcast_in_dim3A_965, %broadcast_in_dim3A_949 : vector<1x128xf32>
      %sub3A_967 = arith.subf %log3A_958, %div3A_966 : vector<1x128xf32>
      %swap3A_968 = arith.index_cast %scan3A_935 : i32 to index
      %swap3A_969 = arith.constant 0 : index
      %swap3A_970 = vector.load %arg8[%swap3A_968, %swap3A_969] : memref<512x128xi32, #tpu.memory_space<vmem>>, vector<1x128xi32>
      tpu.vector_store %arg8[%swap3A_968, %swap3A_969], %broadcast_in_dim3A_957 {strides = array<i32>} : memref<512x128xi32, #tpu.memory_space<vmem>>, vector<1x128xi32>,
      %swap3A_971 = arith.index_cast %scan3A_935 : i32 to index
      %swap3A_972 = arith.constant 0 : index
      %swap3A_973 = vector.load %arg9[%swap3A_971, %swap3A_972] : memref<512x128xf32, #tpu.memory_space<vmem>>, vector<1x128xf32>
      tpu.vector_store %arg9[%swap3A_971, %swap3A_972], %neg3A_961 {strides = array<i32>} : memref<512x128xf32, #tpu.memory_space<vmem>>, vector<1x128xf32>,
      %swap3A_974 = arith.index_cast %scan3A_935 : i32 to index
      %swap3A_975 = arith.constant 0 : index
      %swap3A_976 = vector.load %arg10[%swap3A_974, %swap3A_975] : memref<512x128xf32, #tpu.memory_space<vmem>>, vector<1x128xf32>
      tpu.vector_store %arg10[%swap3A_974, %swap3A_975], %sub3A_967 {strides = array<i32>} : memref<512x128xf32, #tpu.memory_space<vmem>>, vector<1x128xf32>,
      %scan3A_977 = arith.constant 19 : i32
      %scan3A_978 = arith.addi %scan3A_165, %scan3A_977 : i32
      %dot_general3A_979 = arith.constant dense<0.000000e+00> : vector<512x128xf32>
      %dot_general3A_980 = tpu.matmul %get3A_8, %tanh3A_938, %dot_general3A_979 {dimension_numbers = #tpu.dot_dimension_numbers<[0], [0], [1], [1], [0, 1, 1, 1], [], []>, transpose_lhs_hint = false} : vector<512x512xf32>, vector<512x128xf32>, vector<512x128xf32> -> vector<512x128xf32>
      %tanh3A_981 = math.tanh %dot_general3A_980 : vector<512x128xf32>
      %dot_general3A_982 = arith.constant dense<0.000000e+00> : vector<128x128xf32>
      %dot_general3A_983 = tpu.matmul %get3A_11, %tanh3A_981, %dot_general3A_982 {dimension_numbers = #tpu.dot_dimension_numbers<[0], [0], [1], [1], [0, 1, 1, 1], [], []>, transpose_lhs_hint = false} : vector<512x128xf32>, vector<512x128xf32>, vector<128x128xf32> -> vector<128x128xf32>
      %reduce_max3A_984 = arith.constant dense<0xFF800000> : vector<128xf32>
      %reduce_max3A_985 = vector.multi_reduction <maximumf>, %dot_general3A_983, %reduce_max3A_984 [0] : vector<128x128xf32> to vector<128xf32>
      %broadcast_in_dim3A_986 = vector.shape_cast %reduce_max3A_985 : vector<128xf32> to vector<1x128xf32>
      %sub3A_987 = vector.broadcast %broadcast_in_dim3A_986 : vector<1x128xf32> to vector<128x128xf32>
      %sub3A_988 = arith.subf %dot_general3A_983, %sub3A_987 : vector<128x128xf32>
      %exp3A_989 = math.exp %sub3A_988 : vector<128x128xf32>
      %reduce_sum3A_990 = arith.constant dense<0.000000e+00> : vector<128xf32>
      %reduce_sum3A_991 = vector.multi_reduction <add>, %exp3A_989, %reduce_sum3A_990 [0] : vector<128x128xf32> to vector<128xf32>
      %broadcast_in_dim3A_992 = vector.shape_cast %reduce_sum3A_991 : vector<128xf32> to vector<1x128xf32>
      %eq3A_993 = vector.broadcast %broadcast_in_dim3A_986 : vector<1x128xf32> to vector<128x128xf32>
      %eq3A_994 = arith.cmpf oeq, %dot_general3A_983, %eq3A_993 : vector<128x128xf32>
      %jit3A_995 = arith.constant 128 : i32
      %broadcast_in_dim3A_996 = vector.broadcast %jit3A_995 : i32 to vector<128x128xi32>
      %select_n3A_997 = arith.select %eq3A_994, %iota3A, %broadcast_in_dim3A_996 : vector<128x128xi1>, vector<128x128xi32>
      %reduce_min3A_998 = arith.constant dense<2147483647> : vector<128xi32>
      %reduce_min3A_999 = vector.multi_reduction <minsi>, %select_n3A_997, %reduce_min3A_998 [0] : vector<128x128xi32> to vector<128xi32>
      %broadcast_in_dim3A_1000 = vector.shape_cast %reduce_min3A_999 : vector<128xi32> to vector<1x128xi32>
      %log3A_1001 = math.log %broadcast_in_dim3A_992 : vector<1x128xf32>
      %neg3A_1002 = arith.constant 0.000000e+00 : f32
      %neg3A_1003 = vector.broadcast %neg3A_1002 : f32 to vector<1x128xf32>
      %neg3A_1004 = arith.subf %neg3A_1003, %log3A_1001 : vector<1x128xf32>
      %mul3A_1005 = arith.mulf %exp3A_989, %sub3A_988 : vector<128x128xf32>
      %reduce_sum3A_1006 = arith.constant dense<0.000000e+00> : vector<128xf32>
      %reduce_sum3A_1007 = vector.multi_reduction <add>, %mul3A_1005, %reduce_sum3A_1006 [0] : vector<128x128xf32> to vector<128xf32>
      %broadcast_in_dim3A_1008 = vector.shape_cast %reduce_sum3A_1007 : vector<128xf32> to vector<1x128xf32>
      %div3A_1009 = arith.divf %broadcast_in_dim3A_1008, %broadcast_in_dim3A_992 : vector<1x128xf32>
      %sub3A_1010 = arith.subf %log3A_1001, %div3A_1009 : vector<1x128xf32>
      %swap3A_1011 = arith.index_cast %scan3A_978 : i32 to index
      %swap3A_1012 = arith.constant 0 : index
      %swap3A_1013 = vector.load %arg8[%swap3A_1011, %swap3A_1012] : memref<512x128xi32, #tpu.memory_space<vmem>>, vector<1x128xi32>
      tpu.vector_store %arg8[%swap3A_1011, %swap3A_1012], %broadcast_in_dim3A_1000 {strides = array<i32>} : memref<512x128xi32, #tpu.memory_space<vmem>>, vector<1x128xi32>,
      %swap3A_1014 = arith.index_cast %scan3A_978 : i32 to index
      %swap3A_1015 = arith.constant 0 : index
      %swap3A_1016 = vector.load %arg9[%swap3A_1014, %swap3A_1015] : memref<512x128xf32, #tpu.memory_space<vmem>>, vector<1x128xf32>
      tpu.vector_store %arg9[%swap3A_1014, %swap3A_1015], %neg3A_1004 {strides = array<i32>} : memref<512x128xf32, #tpu.memory_space<vmem>>, vector<1x128xf32>,
      %swap3A_1017 = arith.index_cast %scan3A_978 : i32 to index
      %swap3A_1018 = arith.constant 0 : index
      %swap3A_1019 = vector.load %arg10[%swap3A_1017, %swap3A_1018] : memref<512x128xf32, #tpu.memory_space<vmem>>, vector<1x128xf32>
      tpu.vector_store %arg10[%swap3A_1017, %swap3A_1018], %sub3A_1010 {strides = array<i32>} : memref<512x128xf32, #tpu.memory_space<vmem>>, vector<1x128xf32>,
      %scan3A_1020 = arith.constant 20 : i32
      %scan3A_1021 = arith.addi %scan3A_165, %scan3A_1020 : i32
      %dot_general3A_1022 = arith.constant dense<0.000000e+00> : vector<512x128xf32>
      %dot_general3A_1023 = tpu.matmul %get3A_8, %tanh3A_981, %dot_general3A_1022 {dimension_numbers = #tpu.dot_dimension_numbers<[0], [0], [1], [1], [0, 1, 1, 1], [], []>, transpose_lhs_hint = false} : vector<512x512xf32>, vector<512x128xf32>, vector<512x128xf32> -> vector<512x128xf32>
      %tanh3A_1024 = math.tanh %dot_general3A_1023 : vector<512x128xf32>
      %dot_general3A_1025 = arith.constant dense<0.000000e+00> : vector<128x128xf32>
      %dot_general3A_1026 = tpu.matmul %get3A_11, %tanh3A_1024, %dot_general3A_1025 {dimension_numbers = #tpu.dot_dimension_numbers<[0], [0], [1], [1], [0, 1, 1, 1], [], []>, transpose_lhs_hint = false} : vector<512x128xf32>, vector<512x128xf32>, vector<128x128xf32> -> vector<128x128xf32>
      %reduce_max3A_1027 = arith.constant dense<0xFF800000> : vector<128xf32>
      %reduce_max3A_1028 = vector.multi_reduction <maximumf>, %dot_general3A_1026, %reduce_max3A_1027 [0] : vector<128x128xf32> to vector<128xf32>
      %broadcast_in_dim3A_1029 = vector.shape_cast %reduce_max3A_1028 : vector<128xf32> to vector<1x128xf32>
      %sub3A_1030 = vector.broadcast %broadcast_in_dim3A_1029 : vector<1x128xf32> to vector<128x128xf32>
      %sub3A_1031 = arith.subf %dot_general3A_1026, %sub3A_1030 : vector<128x128xf32>
      %exp3A_1032 = math.exp %sub3A_1031 : vector<128x128xf32>
      %reduce_sum3A_1033 = arith.constant dense<0.000000e+00> : vector<128xf32>
      %reduce_sum3A_1034 = vector.multi_reduction <add>, %exp3A_1032, %reduce_sum3A_1033 [0] : vector<128x128xf32> to vector<128xf32>
      %broadcast_in_dim3A_1035 = vector.shape_cast %reduce_sum3A_1034 : vector<128xf32> to vector<1x128xf32>
      %eq3A_1036 = vector.broadcast %broadcast_in_dim3A_1029 : vector<1x128xf32> to vector<128x128xf32>
      %eq3A_1037 = arith.cmpf oeq, %dot_general3A_1026, %eq3A_1036 : vector<128x128xf32>
      %jit3A_1038 = arith.constant 128 : i32
      %broadcast_in_dim3A_1039 = vector.broadcast %jit3A_1038 : i32 to vector<128x128xi32>
      %select_n3A_1040 = arith.select %eq3A_1037, %iota3A, %broadcast_in_dim3A_1039 : vector<128x128xi1>, vector<128x128xi32>
      %reduce_min3A_1041 = arith.constant dense<2147483647> : vector<128xi32>
      %reduce_min3A_1042 = vector.multi_reduction <minsi>, %select_n3A_1040, %reduce_min3A_1041 [0] : vector<128x128xi32> to vector<128xi32>
      %broadcast_in_dim3A_1043 = vector.shape_cast %reduce_min3A_1042 : vector<128xi32> to vector<1x128xi32>
      %log3A_1044 = math.log %broadcast_in_dim3A_1035 : vector<1x128xf32>
      %neg3A_1045 = arith.constant 0.000000e+00 : f32
      %neg3A_1046 = vector.broadcast %neg3A_1045 : f32 to vector<1x128xf32>
      %neg3A_1047 = arith.subf %neg3A_1046, %log3A_1044 : vector<1x128xf32>
      %mul3A_1048 = arith.mulf %exp3A_1032, %sub3A_1031 : vector<128x128xf32>
      %reduce_sum3A_1049 = arith.constant dense<0.000000e+00> : vector<128xf32>
      %reduce_sum3A_1050 = vector.multi_reduction <add>, %mul3A_1048, %reduce_sum3A_1049 [0] : vector<128x128xf32> to vector<128xf32>
      %broadcast_in_dim3A_1051 = vector.shape_cast %reduce_sum3A_1050 : vector<128xf32> to vector<1x128xf32>
      %div3A_1052 = arith.divf %broadcast_in_dim3A_1051, %broadcast_in_dim3A_1035 : vector<1x128xf32>
      %sub3A_1053 = arith.subf %log3A_1044, %div3A_1052 : vector<1x128xf32>
      %swap3A_1054 = arith.index_cast %scan3A_1021 : i32 to index
      %swap3A_1055 = arith.constant 0 : index
      %swap3A_1056 = vector.load %arg8[%swap3A_1054, %swap3A_1055] : memref<512x128xi32, #tpu.memory_space<vmem>>, vector<1x128xi32>
      tpu.vector_store %arg8[%swap3A_1054, %swap3A_1055], %broadcast_in_dim3A_1043 {strides = array<i32>} : memref<512x128xi32, #tpu.memory_space<vmem>>, vector<1x128xi32>,
      %swap3A_1057 = arith.index_cast %scan3A_1021 : i32 to index
      %swap3A_1058 = arith.constant 0 : index
      %swap3A_1059 = vector.load %arg9[%swap3A_1057, %swap3A_1058] : memref<512x128xf32, #tpu.memory_space<vmem>>, vector<1x128xf32>
      tpu.vector_store %arg9[%swap3A_1057, %swap3A_1058], %neg3A_1047 {strides = array<i32>} : memref<512x128xf32, #tpu.memory_space<vmem>>, vector<1x128xf32>,
      %swap3A_1060 = arith.index_cast %scan3A_1021 : i32 to index
      %swap3A_1061 = arith.constant 0 : index
      %swap3A_1062 = vector.load %arg10[%swap3A_1060, %swap3A_1061] : memref<512x128xf32, #tpu.memory_space<vmem>>, vector<1x128xf32>
      tpu.vector_store %arg10[%swap3A_1060, %swap3A_1061], %sub3A_1053 {strides = array<i32>} : memref<512x128xf32, #tpu.memory_space<vmem>>, vector<1x128xf32>,
      %scan3A_1063 = arith.constant 21 : i32
      %scan3A_1064 = arith.addi %scan3A_165, %scan3A_1063 : i32
      %dot_general3A_1065 = arith.constant dense<0.000000e+00> : vector<512x128xf32>
      %dot_general3A_1066 = tpu.matmul %get3A_8, %tanh3A_1024, %dot_general3A_1065 {dimension_numbers = #tpu.dot_dimension_numbers<[0], [0], [1], [1], [0, 1, 1, 1], [], []>, transpose_lhs_hint = false} : vector<512x512xf32>, vector<512x128xf32>, vector<512x128xf32> -> vector<512x128xf32>
      %tanh3A_1067 = math.tanh %dot_general3A_1066 : vector<512x128xf32>
      %dot_general3A_1068 = arith.constant dense<0.000000e+00> : vector<128x128xf32>
      %dot_general3A_1069 = tpu.matmul %get3A_11, %tanh3A_1067, %dot_general3A_1068 {dimension_numbers = #tpu.dot_dimension_numbers<[0], [0], [1], [1], [0, 1, 1, 1], [], []>, transpose_lhs_hint = false} : vector<512x128xf32>, vector<512x128xf32>, vector<128x128xf32> -> vector<128x128xf32>
      %reduce_max3A_1070 = arith.constant dense<0xFF800000> : vector<128xf32>
      %reduce_max3A_1071 = vector.multi_reduction <maximumf>, %dot_general3A_1069, %reduce_max3A_1070 [0] : vector<128x128xf32> to vector<128xf32>
      %broadcast_in_dim3A_1072 = vector.shape_cast %reduce_max3A_1071 : vector<128xf32> to vector<1x128xf32>
      %sub3A_1073 = vector.broadcast %broadcast_in_dim3A_1072 : vector<1x128xf32> to vector<128x128xf32>
      %sub3A_1074 = arith.subf %dot_general3A_1069, %sub3A_1073 : vector<128x128xf32>
      %exp3A_1075 = math.exp %sub3A_1074 : vector<128x128xf32>
      %reduce_sum3A_1076 = arith.constant dense<0.000000e+00> : vector<128xf32>
      %reduce_sum3A_1077 = vector.multi_reduction <add>, %exp3A_1075, %reduce_sum3A_1076 [0] : vector<128x128xf32> to vector<128xf32>
      %broadcast_in_dim3A_1078 = vector.shape_cast %reduce_sum3A_1077 : vector<128xf32> to vector<1x128xf32>
      %eq3A_1079 = vector.broadcast %broadcast_in_dim3A_1072 : vector<1x128xf32> to vector<128x128xf32>
      %eq3A_1080 = arith.cmpf oeq, %dot_general3A_1069, %eq3A_1079 : vector<128x128xf32>
      %jit3A_1081 = arith.constant 128 : i32
      %broadcast_in_dim3A_1082 = vector.broadcast %jit3A_1081 : i32 to vector<128x128xi32>
      %select_n3A_1083 = arith.select %eq3A_1080, %iota3A, %broadcast_in_dim3A_1082 : vector<128x128xi1>, vector<128x128xi32>
      %reduce_min3A_1084 = arith.constant dense<2147483647> : vector<128xi32>
      %reduce_min3A_1085 = vector.multi_reduction <minsi>, %select_n3A_1083, %reduce_min3A_1084 [0] : vector<128x128xi32> to vector<128xi32>
      %broadcast_in_dim3A_1086 = vector.shape_cast %reduce_min3A_1085 : vector<128xi32> to vector<1x128xi32>
      %log3A_1087 = math.log %broadcast_in_dim3A_1078 : vector<1x128xf32>
      %neg3A_1088 = arith.constant 0.000000e+00 : f32
      %neg3A_1089 = vector.broadcast %neg3A_1088 : f32 to vector<1x128xf32>
      %neg3A_1090 = arith.subf %neg3A_1089, %log3A_1087 : vector<1x128xf32>
      %mul3A_1091 = arith.mulf %exp3A_1075, %sub3A_1074 : vector<128x128xf32>
      %reduce_sum3A_1092 = arith.constant dense<0.000000e+00> : vector<128xf32>
      %reduce_sum3A_1093 = vector.multi_reduction <add>, %mul3A_1091, %reduce_sum3A_1092 [0] : vector<128x128xf32> to vector<128xf32>
      %broadcast_in_dim3A_1094 = vector.shape_cast %reduce_sum3A_1093 : vector<128xf32> to vector<1x128xf32>
      %div3A_1095 = arith.divf %broadcast_in_dim3A_1094, %broadcast_in_dim3A_1078 : vector<1x128xf32>
      %sub3A_1096 = arith.subf %log3A_1087, %div3A_1095 : vector<1x128xf32>
      %swap3A_1097 = arith.index_cast %scan3A_1064 : i32 to index
      %swap3A_1098 = arith.constant 0 : index
      %swap3A_1099 = vector.load %arg8[%swap3A_1097, %swap3A_1098] : memref<512x128xi32, #tpu.memory_space<vmem>>, vector<1x128xi32>
      tpu.vector_store %arg8[%swap3A_1097, %swap3A_1098], %broadcast_in_dim3A_1086 {strides = array<i32>} : memref<512x128xi32, #tpu.memory_space<vmem>>, vector<1x128xi32>,
      %swap3A_1100 = arith.index_cast %scan3A_1064 : i32 to index
      %swap3A_1101 = arith.constant 0 : index
      %swap3A_1102 = vector.load %arg9[%swap3A_1100, %swap3A_1101] : memref<512x128xf32, #tpu.memory_space<vmem>>, vector<1x128xf32>
      tpu.vector_store %arg9[%swap3A_1100, %swap3A_1101], %neg3A_1090 {strides = array<i32>} : memref<512x128xf32, #tpu.memory_space<vmem>>, vector<1x128xf32>,
      %swap3A_1103 = arith.index_cast %scan3A_1064 : i32 to index
      %swap3A_1104 = arith.constant 0 : index
      %swap3A_1105 = vector.load %arg10[%swap3A_1103, %swap3A_1104] : memref<512x128xf32, #tpu.memory_space<vmem>>, vector<1x128xf32>
      tpu.vector_store %arg10[%swap3A_1103, %swap3A_1104], %sub3A_1096 {strides = array<i32>} : memref<512x128xf32, #tpu.memory_space<vmem>>, vector<1x128xf32>,
      %scan3A_1106 = arith.constant 22 : i32
      %scan3A_1107 = arith.addi %scan3A_165, %scan3A_1106 : i32
      %dot_general3A_1108 = arith.constant dense<0.000000e+00> : vector<512x128xf32>
      %dot_general3A_1109 = tpu.matmul %get3A_8, %tanh3A_1067, %dot_general3A_1108 {dimension_numbers = #tpu.dot_dimension_numbers<[0], [0], [1], [1], [0, 1, 1, 1], [], []>, transpose_lhs_hint = false} : vector<512x512xf32>, vector<512x128xf32>, vector<512x128xf32> -> vector<512x128xf32>
      %tanh3A_1110 = math.tanh %dot_general3A_1109 : vector<512x128xf32>
      %dot_general3A_1111 = arith.constant dense<0.000000e+00> : vector<128x128xf32>
      %dot_general3A_1112 = tpu.matmul %get3A_11, %tanh3A_1110, %dot_general3A_1111 {dimension_numbers = #tpu.dot_dimension_numbers<[0], [0], [1], [1], [0, 1, 1, 1], [], []>, transpose_lhs_hint = false} : vector<512x128xf32>, vector<512x128xf32>, vector<128x128xf32> -> vector<128x128xf32>
      %reduce_max3A_1113 = arith.constant dense<0xFF800000> : vector<128xf32>
      %reduce_max3A_1114 = vector.multi_reduction <maximumf>, %dot_general3A_1112, %reduce_max3A_1113 [0] : vector<128x128xf32> to vector<128xf32>
      %broadcast_in_dim3A_1115 = vector.shape_cast %reduce_max3A_1114 : vector<128xf32> to vector<1x128xf32>
      %sub3A_1116 = vector.broadcast %broadcast_in_dim3A_1115 : vector<1x128xf32> to vector<128x128xf32>
      %sub3A_1117 = arith.subf %dot_general3A_1112, %sub3A_1116 : vector<128x128xf32>
      %exp3A_1118 = math.exp %sub3A_1117 : vector<128x128xf32>
      %reduce_sum3A_1119 = arith.constant dense<0.000000e+00> : vector<128xf32>
      %reduce_sum3A_1120 = vector.multi_reduction <add>, %exp3A_1118, %reduce_sum3A_1119 [0] : vector<128x128xf32> to vector<128xf32>
      %broadcast_in_dim3A_1121 = vector.shape_cast %reduce_sum3A_1120 : vector<128xf32> to vector<1x128xf32>
      %eq3A_1122 = vector.broadcast %broadcast_in_dim3A_1115 : vector<1x128xf32> to vector<128x128xf32>
      %eq3A_1123 = arith.cmpf oeq, %dot_general3A_1112, %eq3A_1122 : vector<128x128xf32>
      %jit3A_1124 = arith.constant 128 : i32
      %broadcast_in_dim3A_1125 = vector.broadcast %jit3A_1124 : i32 to vector<128x128xi32>
      %select_n3A_1126 = arith.select %eq3A_1123, %iota3A, %broadcast_in_dim3A_1125 : vector<128x128xi1>, vector<128x128xi32>
      %reduce_min3A_1127 = arith.constant dense<2147483647> : vector<128xi32>
      %reduce_min3A_1128 = vector.multi_reduction <minsi>, %select_n3A_1126, %reduce_min3A_1127 [0] : vector<128x128xi32> to vector<128xi32>
      %broadcast_in_dim3A_1129 = vector.shape_cast %reduce_min3A_1128 : vector<128xi32> to vector<1x128xi32>
      %log3A_1130 = math.log %broadcast_in_dim3A_1121 : vector<1x128xf32>
      %neg3A_1131 = arith.constant 0.000000e+00 : f32
      %neg3A_1132 = vector.broadcast %neg3A_1131 : f32 to vector<1x128xf32>
      %neg3A_1133 = arith.subf %neg3A_1132, %log3A_1130 : vector<1x128xf32>
      %mul3A_1134 = arith.mulf %exp3A_1118, %sub3A_1117 : vector<128x128xf32>
      %reduce_sum3A_1135 = arith.constant dense<0.000000e+00> : vector<128xf32>
      %reduce_sum3A_1136 = vector.multi_reduction <add>, %mul3A_1134, %reduce_sum3A_1135 [0] : vector<128x128xf32> to vector<128xf32>
      %broadcast_in_dim3A_1137 = vector.shape_cast %reduce_sum3A_1136 : vector<128xf32> to vector<1x128xf32>
      %div3A_1138 = arith.divf %broadcast_in_dim3A_1137, %broadcast_in_dim3A_1121 : vector<1x128xf32>
      %sub3A_1139 = arith.subf %log3A_1130, %div3A_1138 : vector<1x128xf32>
      %swap3A_1140 = arith.index_cast %scan3A_1107 : i32 to index
      %swap3A_1141 = arith.constant 0 : index
      %swap3A_1142 = vector.load %arg8[%swap3A_1140, %swap3A_1141] : memref<512x128xi32, #tpu.memory_space<vmem>>, vector<1x128xi32>
      tpu.vector_store %arg8[%swap3A_1140, %swap3A_1141], %broadcast_in_dim3A_1129 {strides = array<i32>} : memref<512x128xi32, #tpu.memory_space<vmem>>, vector<1x128xi32>,
      %swap3A_1143 = arith.index_cast %scan3A_1107 : i32 to index
      %swap3A_1144 = arith.constant 0 : index
      %swap3A_1145 = vector.load %arg9[%swap3A_1143, %swap3A_1144] : memref<512x128xf32, #tpu.memory_space<vmem>>, vector<1x128xf32>
      tpu.vector_store %arg9[%swap3A_1143, %swap3A_1144], %neg3A_1133 {strides = array<i32>} : memref<512x128xf32, #tpu.memory_space<vmem>>, vector<1x128xf32>,
      %swap3A_1146 = arith.index_cast %scan3A_1107 : i32 to index
      %swap3A_1147 = arith.constant 0 : index
      %swap3A_1148 = vector.load %arg10[%swap3A_1146, %swap3A_1147] : memref<512x128xf32, #tpu.memory_space<vmem>>, vector<1x128xf32>
      tpu.vector_store %arg10[%swap3A_1146, %swap3A_1147], %sub3A_1139 {strides = array<i32>} : memref<512x128xf32, #tpu.memory_space<vmem>>, vector<1x128xf32>,
      %scan3A_1149 = arith.constant 23 : i32
      %scan3A_1150 = arith.addi %scan3A_165, %scan3A_1149 : i32
      %dot_general3A_1151 = arith.constant dense<0.000000e+00> : vector<512x128xf32>
      %dot_general3A_1152 = tpu.matmul %get3A_8, %tanh3A_1110, %dot_general3A_1151 {dimension_numbers = #tpu.dot_dimension_numbers<[0], [0], [1], [1], [0, 1, 1, 1], [], []>, transpose_lhs_hint = false} : vector<512x512xf32>, vector<512x128xf32>, vector<512x128xf32> -> vector<512x128xf32>
      %tanh3A_1153 = math.tanh %dot_general3A_1152 : vector<512x128xf32>
      %dot_general3A_1154 = arith.constant dense<0.000000e+00> : vector<128x128xf32>
      %dot_general3A_1155 = tpu.matmul %get3A_11, %tanh3A_1153, %dot_general3A_1154 {dimension_numbers = #tpu.dot_dimension_numbers<[0], [0], [1], [1], [0, 1, 1, 1], [], []>, transpose_lhs_hint = false} : vector<512x128xf32>, vector<512x128xf32>, vector<128x128xf32> -> vector<128x128xf32>
      %reduce_max3A_1156 = arith.constant dense<0xFF800000> : vector<128xf32>
      %reduce_max3A_1157 = vector.multi_reduction <maximumf>, %dot_general3A_1155, %reduce_max3A_1156 [0] : vector<128x128xf32> to vector<128xf32>
      %broadcast_in_dim3A_1158 = vector.shape_cast %reduce_max3A_1157 : vector<128xf32> to vector<1x128xf32>
      %sub3A_1159 = vector.broadcast %broadcast_in_dim3A_1158 : vector<1x128xf32> to vector<128x128xf32>
      %sub3A_1160 = arith.subf %dot_general3A_1155, %sub3A_1159 : vector<128x128xf32>
      %exp3A_1161 = math.exp %sub3A_1160 : vector<128x128xf32>
      %reduce_sum3A_1162 = arith.constant dense<0.000000e+00> : vector<128xf32>
      %reduce_sum3A_1163 = vector.multi_reduction <add>, %exp3A_1161, %reduce_sum3A_1162 [0] : vector<128x128xf32> to vector<128xf32>
      %broadcast_in_dim3A_1164 = vector.shape_cast %reduce_sum3A_1163 : vector<128xf32> to vector<1x128xf32>
      %eq3A_1165 = vector.broadcast %broadcast_in_dim3A_1158 : vector<1x128xf32> to vector<128x128xf32>
      %eq3A_1166 = arith.cmpf oeq, %dot_general3A_1155, %eq3A_1165 : vector<128x128xf32>
      %jit3A_1167 = arith.constant 128 : i32
      %broadcast_in_dim3A_1168 = vector.broadcast %jit3A_1167 : i32 to vector<128x128xi32>
      %select_n3A_1169 = arith.select %eq3A_1166, %iota3A, %broadcast_in_dim3A_1168 : vector<128x128xi1>, vector<128x128xi32>
      %reduce_min3A_1170 = arith.constant dense<2147483647> : vector<128xi32>
      %reduce_min3A_1171 = vector.multi_reduction <minsi>, %select_n3A_1169, %reduce_min3A_1170 [0] : vector<128x128xi32> to vector<128xi32>
      %broadcast_in_dim3A_1172 = vector.shape_cast %reduce_min3A_1171 : vector<128xi32> to vector<1x128xi32>
      %log3A_1173 = math.log %broadcast_in_dim3A_1164 : vector<1x128xf32>
      %neg3A_1174 = arith.constant 0.000000e+00 : f32
      %neg3A_1175 = vector.broadcast %neg3A_1174 : f32 to vector<1x128xf32>
      %neg3A_1176 = arith.subf %neg3A_1175, %log3A_1173 : vector<1x128xf32>
      %mul3A_1177 = arith.mulf %exp3A_1161, %sub3A_1160 : vector<128x128xf32>
      %reduce_sum3A_1178 = arith.constant dense<0.000000e+00> : vector<128xf32>
      %reduce_sum3A_1179 = vector.multi_reduction <add>, %mul3A_1177, %reduce_sum3A_1178 [0] : vector<128x128xf32> to vector<128xf32>
      %broadcast_in_dim3A_1180 = vector.shape_cast %reduce_sum3A_1179 : vector<128xf32> to vector<1x128xf32>
      %div3A_1181 = arith.divf %broadcast_in_dim3A_1180, %broadcast_in_dim3A_1164 : vector<1x128xf32>
      %sub3A_1182 = arith.subf %log3A_1173, %div3A_1181 : vector<1x128xf32>
      %swap3A_1183 = arith.index_cast %scan3A_1150 : i32 to index
      %swap3A_1184 = arith.constant 0 : index
      %swap3A_1185 = vector.load %arg8[%swap3A_1183, %swap3A_1184] : memref<512x128xi32, #tpu.memory_space<vmem>>, vector<1x128xi32>
      tpu.vector_store %arg8[%swap3A_1183, %swap3A_1184], %broadcast_in_dim3A_1172 {strides = array<i32>} : memref<512x128xi32, #tpu.memory_space<vmem>>, vector<1x128xi32>,
      %swap3A_1186 = arith.index_cast %scan3A_1150 : i32 to index
      %swap3A_1187 = arith.constant 0 : index
      %swap3A_1188 = vector.load %arg9[%swap3A_1186, %swap3A_1187] : memref<512x128xf32, #tpu.memory_space<vmem>>, vector<1x128xf32>
      tpu.vector_store %arg9[%swap3A_1186, %swap3A_1187], %neg3A_1176 {strides = array<i32>} : memref<512x128xf32, #tpu.memory_space<vmem>>, vector<1x128xf32>,
      %swap3A_1189 = arith.index_cast %scan3A_1150 : i32 to index
      %swap3A_1190 = arith.constant 0 : index
      %swap3A_1191 = vector.load %arg10[%swap3A_1189, %swap3A_1190] : memref<512x128xf32, #tpu.memory_space<vmem>>, vector<1x128xf32>
      tpu.vector_store %arg10[%swap3A_1189, %swap3A_1190], %sub3A_1182 {strides = array<i32>} : memref<512x128xf32, #tpu.memory_space<vmem>>, vector<1x128xf32>,
      %scan3A_1192 = arith.constant 24 : i32
      %scan3A_1193 = arith.addi %scan3A_165, %scan3A_1192 : i32
      %dot_general3A_1194 = arith.constant dense<0.000000e+00> : vector<512x128xf32>
      %dot_general3A_1195 = tpu.matmul %get3A_8, %tanh3A_1153, %dot_general3A_1194 {dimension_numbers = #tpu.dot_dimension_numbers<[0], [0], [1], [1], [0, 1, 1, 1], [], []>, transpose_lhs_hint = false} : vector<512x512xf32>, vector<512x128xf32>, vector<512x128xf32> -> vector<512x128xf32>
      %tanh3A_1196 = math.tanh %dot_general3A_1195 : vector<512x128xf32>
      %dot_general3A_1197 = arith.constant dense<0.000000e+00> : vector<128x128xf32>
      %dot_general3A_1198 = tpu.matmul %get3A_11, %tanh3A_1196, %dot_general3A_1197 {dimension_numbers = #tpu.dot_dimension_numbers<[0], [0], [1], [1], [0, 1, 1, 1], [], []>, transpose_lhs_hint = false} : vector<512x128xf32>, vector<512x128xf32>, vector<128x128xf32> -> vector<128x128xf32>
      %reduce_max3A_1199 = arith.constant dense<0xFF800000> : vector<128xf32>
      %reduce_max3A_1200 = vector.multi_reduction <maximumf>, %dot_general3A_1198, %reduce_max3A_1199 [0] : vector<128x128xf32> to vector<128xf32>
      %broadcast_in_dim3A_1201 = vector.shape_cast %reduce_max3A_1200 : vector<128xf32> to vector<1x128xf32>
      %sub3A_1202 = vector.broadcast %broadcast_in_dim3A_1201 : vector<1x128xf32> to vector<128x128xf32>
      %sub3A_1203 = arith.subf %dot_general3A_1198, %sub3A_1202 : vector<128x128xf32>
      %exp3A_1204 = math.exp %sub3A_1203 : vector<128x128xf32>
      %reduce_sum3A_1205 = arith.constant dense<0.000000e+00> : vector<128xf32>
      %reduce_sum3A_1206 = vector.multi_reduction <add>, %exp3A_1204, %reduce_sum3A_1205 [0] : vector<128x128xf32> to vector<128xf32>
      %broadcast_in_dim3A_1207 = vector.shape_cast %reduce_sum3A_1206 : vector<128xf32> to vector<1x128xf32>
      %eq3A_1208 = vector.broadcast %broadcast_in_dim3A_1201 : vector<1x128xf32> to vector<128x128xf32>
      %eq3A_1209 = arith.cmpf oeq, %dot_general3A_1198, %eq3A_1208 : vector<128x128xf32>
      %jit3A_1210 = arith.constant 128 : i32
      %broadcast_in_dim3A_1211 = vector.broadcast %jit3A_1210 : i32 to vector<128x128xi32>
      %select_n3A_1212 = arith.select %eq3A_1209, %iota3A, %broadcast_in_dim3A_1211 : vector<128x128xi1>, vector<128x128xi32>
      %reduce_min3A_1213 = arith.constant dense<2147483647> : vector<128xi32>
      %reduce_min3A_1214 = vector.multi_reduction <minsi>, %select_n3A_1212, %reduce_min3A_1213 [0] : vector<128x128xi32> to vector<128xi32>
      %broadcast_in_dim3A_1215 = vector.shape_cast %reduce_min3A_1214 : vector<128xi32> to vector<1x128xi32>
      %log3A_1216 = math.log %broadcast_in_dim3A_1207 : vector<1x128xf32>
      %neg3A_1217 = arith.constant 0.000000e+00 : f32
      %neg3A_1218 = vector.broadcast %neg3A_1217 : f32 to vector<1x128xf32>
      %neg3A_1219 = arith.subf %neg3A_1218, %log3A_1216 : vector<1x128xf32>
      %mul3A_1220 = arith.mulf %exp3A_1204, %sub3A_1203 : vector<128x128xf32>
      %reduce_sum3A_1221 = arith.constant dense<0.000000e+00> : vector<128xf32>
      %reduce_sum3A_1222 = vector.multi_reduction <add>, %mul3A_1220, %reduce_sum3A_1221 [0] : vector<128x128xf32> to vector<128xf32>
      %broadcast_in_dim3A_1223 = vector.shape_cast %reduce_sum3A_1222 : vector<128xf32> to vector<1x128xf32>
      %div3A_1224 = arith.divf %broadcast_in_dim3A_1223, %broadcast_in_dim3A_1207 : vector<1x128xf32>
      %sub3A_1225 = arith.subf %log3A_1216, %div3A_1224 : vector<1x128xf32>
      %swap3A_1226 = arith.index_cast %scan3A_1193 : i32 to index
      %swap3A_1227 = arith.constant 0 : index
      %swap3A_1228 = vector.load %arg8[%swap3A_1226, %swap3A_1227] : memref<512x128xi32, #tpu.memory_space<vmem>>, vector<1x128xi32>
      tpu.vector_store %arg8[%swap3A_1226, %swap3A_1227], %broadcast_in_dim3A_1215 {strides = array<i32>} : memref<512x128xi32, #tpu.memory_space<vmem>>, vector<1x128xi32>,
      %swap3A_1229 = arith.index_cast %scan3A_1193 : i32 to index
      %swap3A_1230 = arith.constant 0 : index
      %swap3A_1231 = vector.load %arg9[%swap3A_1229, %swap3A_1230] : memref<512x128xf32, #tpu.memory_space<vmem>>, vector<1x128xf32>
      tpu.vector_store %arg9[%swap3A_1229, %swap3A_1230], %neg3A_1219 {strides = array<i32>} : memref<512x128xf32, #tpu.memory_space<vmem>>, vector<1x128xf32>,
      %swap3A_1232 = arith.index_cast %scan3A_1193 : i32 to index
      %swap3A_1233 = arith.constant 0 : index
      %swap3A_1234 = vector.load %arg10[%swap3A_1232, %swap3A_1233] : memref<512x128xf32, #tpu.memory_space<vmem>>, vector<1x128xf32>
      tpu.vector_store %arg10[%swap3A_1232, %swap3A_1233], %sub3A_1225 {strides = array<i32>} : memref<512x128xf32, #tpu.memory_space<vmem>>, vector<1x128xf32>,
      %scan3A_1235 = arith.constant 25 : i32
      %scan3A_1236 = arith.addi %scan3A_165, %scan3A_1235 : i32
      %dot_general3A_1237 = arith.constant dense<0.000000e+00> : vector<512x128xf32>
      %dot_general3A_1238 = tpu.matmul %get3A_8, %tanh3A_1196, %dot_general3A_1237 {dimension_numbers = #tpu.dot_dimension_numbers<[0], [0], [1], [1], [0, 1, 1, 1], [], []>, transpose_lhs_hint = false} : vector<512x512xf32>, vector<512x128xf32>, vector<512x128xf32> -> vector<512x128xf32>
      %tanh3A_1239 = math.tanh %dot_general3A_1238 : vector<512x128xf32>
      %dot_general3A_1240 = arith.constant dense<0.000000e+00> : vector<128x128xf32>
      %dot_general3A_1241 = tpu.matmul %get3A_11, %tanh3A_1239, %dot_general3A_1240 {dimension_numbers = #tpu.dot_dimension_numbers<[0], [0], [1], [1], [0, 1, 1, 1], [], []>, transpose_lhs_hint = false} : vector<512x128xf32>, vector<512x128xf32>, vector<128x128xf32> -> vector<128x128xf32>
      %reduce_max3A_1242 = arith.constant dense<0xFF800000> : vector<128xf32>
      %reduce_max3A_1243 = vector.multi_reduction <maximumf>, %dot_general3A_1241, %reduce_max3A_1242 [0] : vector<128x128xf32> to vector<128xf32>
      %broadcast_in_dim3A_1244 = vector.shape_cast %reduce_max3A_1243 : vector<128xf32> to vector<1x128xf32>
      %sub3A_1245 = vector.broadcast %broadcast_in_dim3A_1244 : vector<1x128xf32> to vector<128x128xf32>
      %sub3A_1246 = arith.subf %dot_general3A_1241, %sub3A_1245 : vector<128x128xf32>
      %exp3A_1247 = math.exp %sub3A_1246 : vector<128x128xf32>
      %reduce_sum3A_1248 = arith.constant dense<0.000000e+00> : vector<128xf32>
      %reduce_sum3A_1249 = vector.multi_reduction <add>, %exp3A_1247, %reduce_sum3A_1248 [0] : vector<128x128xf32> to vector<128xf32>
      %broadcast_in_dim3A_1250 = vector.shape_cast %reduce_sum3A_1249 : vector<128xf32> to vector<1x128xf32>
      %eq3A_1251 = vector.broadcast %broadcast_in_dim3A_1244 : vector<1x128xf32> to vector<128x128xf32>
      %eq3A_1252 = arith.cmpf oeq, %dot_general3A_1241, %eq3A_1251 : vector<128x128xf32>
      %jit3A_1253 = arith.constant 128 : i32
      %broadcast_in_dim3A_1254 = vector.broadcast %jit3A_1253 : i32 to vector<128x128xi32>
      %select_n3A_1255 = arith.select %eq3A_1252, %iota3A, %broadcast_in_dim3A_1254 : vector<128x128xi1>, vector<128x128xi32>
      %reduce_min3A_1256 = arith.constant dense<2147483647> : vector<128xi32>
      %reduce_min3A_1257 = vector.multi_reduction <minsi>, %select_n3A_1255, %reduce_min3A_1256 [0] : vector<128x128xi32> to vector<128xi32>
      %broadcast_in_dim3A_1258 = vector.shape_cast %reduce_min3A_1257 : vector<128xi32> to vector<1x128xi32>
      %log3A_1259 = math.log %broadcast_in_dim3A_1250 : vector<1x128xf32>
      %neg3A_1260 = arith.constant 0.000000e+00 : f32
      %neg3A_1261 = vector.broadcast %neg3A_1260 : f32 to vector<1x128xf32>
      %neg3A_1262 = arith.subf %neg3A_1261, %log3A_1259 : vector<1x128xf32>
      %mul3A_1263 = arith.mulf %exp3A_1247, %sub3A_1246 : vector<128x128xf32>
      %reduce_sum3A_1264 = arith.constant dense<0.000000e+00> : vector<128xf32>
      %reduce_sum3A_1265 = vector.multi_reduction <add>, %mul3A_1263, %reduce_sum3A_1264 [0] : vector<128x128xf32> to vector<128xf32>
      %broadcast_in_dim3A_1266 = vector.shape_cast %reduce_sum3A_1265 : vector<128xf32> to vector<1x128xf32>
      %div3A_1267 = arith.divf %broadcast_in_dim3A_1266, %broadcast_in_dim3A_1250 : vector<1x128xf32>
      %sub3A_1268 = arith.subf %log3A_1259, %div3A_1267 : vector<1x128xf32>
      %swap3A_1269 = arith.index_cast %scan3A_1236 : i32 to index
      %swap3A_1270 = arith.constant 0 : index
      %swap3A_1271 = vector.load %arg8[%swap3A_1269, %swap3A_1270] : memref<512x128xi32, #tpu.memory_space<vmem>>, vector<1x128xi32>
      tpu.vector_store %arg8[%swap3A_1269, %swap3A_1270], %broadcast_in_dim3A_1258 {strides = array<i32>} : memref<512x128xi32, #tpu.memory_space<vmem>>, vector<1x128xi32>,
      %swap3A_1272 = arith.index_cast %scan3A_1236 : i32 to index
      %swap3A_1273 = arith.constant 0 : index
      %swap3A_1274 = vector.load %arg9[%swap3A_1272, %swap3A_1273] : memref<512x128xf32, #tpu.memory_space<vmem>>, vector<1x128xf32>
      tpu.vector_store %arg9[%swap3A_1272, %swap3A_1273], %neg3A_1262 {strides = array<i32>} : memref<512x128xf32, #tpu.memory_space<vmem>>, vector<1x128xf32>,
      %swap3A_1275 = arith.index_cast %scan3A_1236 : i32 to index
      %swap3A_1276 = arith.constant 0 : index
      %swap3A_1277 = vector.load %arg10[%swap3A_1275, %swap3A_1276] : memref<512x128xf32, #tpu.memory_space<vmem>>, vector<1x128xf32>
      tpu.vector_store %arg10[%swap3A_1275, %swap3A_1276], %sub3A_1268 {strides = array<i32>} : memref<512x128xf32, #tpu.memory_space<vmem>>, vector<1x128xf32>,
      %scan3A_1278 = arith.constant 26 : i32
      %scan3A_1279 = arith.addi %scan3A_165, %scan3A_1278 : i32
      %dot_general3A_1280 = arith.constant dense<0.000000e+00> : vector<512x128xf32>
      %dot_general3A_1281 = tpu.matmul %get3A_8, %tanh3A_1239, %dot_general3A_1280 {dimension_numbers = #tpu.dot_dimension_numbers<[0], [0], [1], [1], [0, 1, 1, 1], [], []>, transpose_lhs_hint = false} : vector<512x512xf32>, vector<512x128xf32>, vector<512x128xf32> -> vector<512x128xf32>
      %tanh3A_1282 = math.tanh %dot_general3A_1281 : vector<512x128xf32>
      %dot_general3A_1283 = arith.constant dense<0.000000e+00> : vector<128x128xf32>
      %dot_general3A_1284 = tpu.matmul %get3A_11, %tanh3A_1282, %dot_general3A_1283 {dimension_numbers = #tpu.dot_dimension_numbers<[0], [0], [1], [1], [0, 1, 1, 1], [], []>, transpose_lhs_hint = false} : vector<512x128xf32>, vector<512x128xf32>, vector<128x128xf32> -> vector<128x128xf32>
      %reduce_max3A_1285 = arith.constant dense<0xFF800000> : vector<128xf32>
      %reduce_max3A_1286 = vector.multi_reduction <maximumf>, %dot_general3A_1284, %reduce_max3A_1285 [0] : vector<128x128xf32> to vector<128xf32>
      %broadcast_in_dim3A_1287 = vector.shape_cast %reduce_max3A_1286 : vector<128xf32> to vector<1x128xf32>
      %sub3A_1288 = vector.broadcast %broadcast_in_dim3A_1287 : vector<1x128xf32> to vector<128x128xf32>
      %sub3A_1289 = arith.subf %dot_general3A_1284, %sub3A_1288 : vector<128x128xf32>
      %exp3A_1290 = math.exp %sub3A_1289 : vector<128x128xf32>
      %reduce_sum3A_1291 = arith.constant dense<0.000000e+00> : vector<128xf32>
      %reduce_sum3A_1292 = vector.multi_reduction <add>, %exp3A_1290, %reduce_sum3A_1291 [0] : vector<128x128xf32> to vector<128xf32>
      %broadcast_in_dim3A_1293 = vector.shape_cast %reduce_sum3A_1292 : vector<128xf32> to vector<1x128xf32>
      %eq3A_1294 = vector.broadcast %broadcast_in_dim3A_1287 : vector<1x128xf32> to vector<128x128xf32>
      %eq3A_1295 = arith.cmpf oeq, %dot_general3A_1284, %eq3A_1294 : vector<128x128xf32>
      %jit3A_1296 = arith.constant 128 : i32
      %broadcast_in_dim3A_1297 = vector.broadcast %jit3A_1296 : i32 to vector<128x128xi32>
      %select_n3A_1298 = arith.select %eq3A_1295, %iota3A, %broadcast_in_dim3A_1297 : vector<128x128xi1>, vector<128x128xi32>
      %reduce_min3A_1299 = arith.constant dense<2147483647> : vector<128xi32>
      %reduce_min3A_1300 = vector.multi_reduction <minsi>, %select_n3A_1298, %reduce_min3A_1299 [0] : vector<128x128xi32> to vector<128xi32>
      %broadcast_in_dim3A_1301 = vector.shape_cast %reduce_min3A_1300 : vector<128xi32> to vector<1x128xi32>
      %log3A_1302 = math.log %broadcast_in_dim3A_1293 : vector<1x128xf32>
      %neg3A_1303 = arith.constant 0.000000e+00 : f32
      %neg3A_1304 = vector.broadcast %neg3A_1303 : f32 to vector<1x128xf32>
      %neg3A_1305 = arith.subf %neg3A_1304, %log3A_1302 : vector<1x128xf32>
      %mul3A_1306 = arith.mulf %exp3A_1290, %sub3A_1289 : vector<128x128xf32>
      %reduce_sum3A_1307 = arith.constant dense<0.000000e+00> : vector<128xf32>
      %reduce_sum3A_1308 = vector.multi_reduction <add>, %mul3A_1306, %reduce_sum3A_1307 [0] : vector<128x128xf32> to vector<128xf32>
      %broadcast_in_dim3A_1309 = vector.shape_cast %reduce_sum3A_1308 : vector<128xf32> to vector<1x128xf32>
      %div3A_1310 = arith.divf %broadcast_in_dim3A_1309, %broadcast_in_dim3A_1293 : vector<1x128xf32>
      %sub3A_1311 = arith.subf %log3A_1302, %div3A_1310 : vector<1x128xf32>
      %swap3A_1312 = arith.index_cast %scan3A_1279 : i32 to index
      %swap3A_1313 = arith.constant 0 : index
      %swap3A_1314 = vector.load %arg8[%swap3A_1312, %swap3A_1313] : memref<512x128xi32, #tpu.memory_space<vmem>>, vector<1x128xi32>
      tpu.vector_store %arg8[%swap3A_1312, %swap3A_1313], %broadcast_in_dim3A_1301 {strides = array<i32>} : memref<512x128xi32, #tpu.memory_space<vmem>>, vector<1x128xi32>,
      %swap3A_1315 = arith.index_cast %scan3A_1279 : i32 to index
      %swap3A_1316 = arith.constant 0 : index
      %swap3A_1317 = vector.load %arg9[%swap3A_1315, %swap3A_1316] : memref<512x128xf32, #tpu.memory_space<vmem>>, vector<1x128xf32>
      tpu.vector_store %arg9[%swap3A_1315, %swap3A_1316], %neg3A_1305 {strides = array<i32>} : memref<512x128xf32, #tpu.memory_space<vmem>>, vector<1x128xf32>,
      %swap3A_1318 = arith.index_cast %scan3A_1279 : i32 to index
      %swap3A_1319 = arith.constant 0 : index
      %swap3A_1320 = vector.load %arg10[%swap3A_1318, %swap3A_1319] : memref<512x128xf32, #tpu.memory_space<vmem>>, vector<1x128xf32>
      tpu.vector_store %arg10[%swap3A_1318, %swap3A_1319], %sub3A_1311 {strides = array<i32>} : memref<512x128xf32, #tpu.memory_space<vmem>>, vector<1x128xf32>,
      %scan3A_1321 = arith.constant 27 : i32
      %scan3A_1322 = arith.addi %scan3A_165, %scan3A_1321 : i32
      %dot_general3A_1323 = arith.constant dense<0.000000e+00> : vector<512x128xf32>
      %dot_general3A_1324 = tpu.matmul %get3A_8, %tanh3A_1282, %dot_general3A_1323 {dimension_numbers = #tpu.dot_dimension_numbers<[0], [0], [1], [1], [0, 1, 1, 1], [], []>, transpose_lhs_hint = false} : vector<512x512xf32>, vector<512x128xf32>, vector<512x128xf32> -> vector<512x128xf32>
      %tanh3A_1325 = math.tanh %dot_general3A_1324 : vector<512x128xf32>
      %dot_general3A_1326 = arith.constant dense<0.000000e+00> : vector<128x128xf32>
      %dot_general3A_1327 = tpu.matmul %get3A_11, %tanh3A_1325, %dot_general3A_1326 {dimension_numbers = #tpu.dot_dimension_numbers<[0], [0], [1], [1], [0, 1, 1, 1], [], []>, transpose_lhs_hint = false} : vector<512x128xf32>, vector<512x128xf32>, vector<128x128xf32> -> vector<128x128xf32>
      %reduce_max3A_1328 = arith.constant dense<0xFF800000> : vector<128xf32>
      %reduce_max3A_1329 = vector.multi_reduction <maximumf>, %dot_general3A_1327, %reduce_max3A_1328 [0] : vector<128x128xf32> to vector<128xf32>
      %broadcast_in_dim3A_1330 = vector.shape_cast %reduce_max3A_1329 : vector<128xf32> to vector<1x128xf32>
      %sub3A_1331 = vector.broadcast %broadcast_in_dim3A_1330 : vector<1x128xf32> to vector<128x128xf32>
      %sub3A_1332 = arith.subf %dot_general3A_1327, %sub3A_1331 : vector<128x128xf32>
      %exp3A_1333 = math.exp %sub3A_1332 : vector<128x128xf32>
      %reduce_sum3A_1334 = arith.constant dense<0.000000e+00> : vector<128xf32>
      %reduce_sum3A_1335 = vector.multi_reduction <add>, %exp3A_1333, %reduce_sum3A_1334 [0] : vector<128x128xf32> to vector<128xf32>
      %broadcast_in_dim3A_1336 = vector.shape_cast %reduce_sum3A_1335 : vector<128xf32> to vector<1x128xf32>
      %eq3A_1337 = vector.broadcast %broadcast_in_dim3A_1330 : vector<1x128xf32> to vector<128x128xf32>
      %eq3A_1338 = arith.cmpf oeq, %dot_general3A_1327, %eq3A_1337 : vector<128x128xf32>
      %jit3A_1339 = arith.constant 128 : i32
      %broadcast_in_dim3A_1340 = vector.broadcast %jit3A_1339 : i32 to vector<128x128xi32>
      %select_n3A_1341 = arith.select %eq3A_1338, %iota3A, %broadcast_in_dim3A_1340 : vector<128x128xi1>, vector<128x128xi32>
      %reduce_min3A_1342 = arith.constant dense<2147483647> : vector<128xi32>
      %reduce_min3A_1343 = vector.multi_reduction <minsi>, %select_n3A_1341, %reduce_min3A_1342 [0] : vector<128x128xi32> to vector<128xi32>
      %broadcast_in_dim3A_1344 = vector.shape_cast %reduce_min3A_1343 : vector<128xi32> to vector<1x128xi32>
      %log3A_1345 = math.log %broadcast_in_dim3A_1336 : vector<1x128xf32>
      %neg3A_1346 = arith.constant 0.000000e+00 : f32
      %neg3A_1347 = vector.broadcast %neg3A_1346 : f32 to vector<1x128xf32>
      %neg3A_1348 = arith.subf %neg3A_1347, %log3A_1345 : vector<1x128xf32>
      %mul3A_1349 = arith.mulf %exp3A_1333, %sub3A_1332 : vector<128x128xf32>
      %reduce_sum3A_1350 = arith.constant dense<0.000000e+00> : vector<128xf32>
      %reduce_sum3A_1351 = vector.multi_reduction <add>, %mul3A_1349, %reduce_sum3A_1350 [0] : vector<128x128xf32> to vector<128xf32>
      %broadcast_in_dim3A_1352 = vector.shape_cast %reduce_sum3A_1351 : vector<128xf32> to vector<1x128xf32>
      %div3A_1353 = arith.divf %broadcast_in_dim3A_1352, %broadcast_in_dim3A_1336 : vector<1x128xf32>
      %sub3A_1354 = arith.subf %log3A_1345, %div3A_1353 : vector<1x128xf32>
      %swap3A_1355 = arith.index_cast %scan3A_1322 : i32 to index
      %swap3A_1356 = arith.constant 0 : index
      %swap3A_1357 = vector.load %arg8[%swap3A_1355, %swap3A_1356] : memref<512x128xi32, #tpu.memory_space<vmem>>, vector<1x128xi32>
      tpu.vector_store %arg8[%swap3A_1355, %swap3A_1356], %broadcast_in_dim3A_1344 {strides = array<i32>} : memref<512x128xi32, #tpu.memory_space<vmem>>, vector<1x128xi32>,
      %swap3A_1358 = arith.index_cast %scan3A_1322 : i32 to index
      %swap3A_1359 = arith.constant 0 : index
      %swap3A_1360 = vector.load %arg9[%swap3A_1358, %swap3A_1359] : memref<512x128xf32, #tpu.memory_space<vmem>>, vector<1x128xf32>
      tpu.vector_store %arg9[%swap3A_1358, %swap3A_1359], %neg3A_1348 {strides = array<i32>} : memref<512x128xf32, #tpu.memory_space<vmem>>, vector<1x128xf32>,
      %swap3A_1361 = arith.index_cast %scan3A_1322 : i32 to index
      %swap3A_1362 = arith.constant 0 : index
      %swap3A_1363 = vector.load %arg10[%swap3A_1361, %swap3A_1362] : memref<512x128xf32, #tpu.memory_space<vmem>>, vector<1x128xf32>
      tpu.vector_store %arg10[%swap3A_1361, %swap3A_1362], %sub3A_1354 {strides = array<i32>} : memref<512x128xf32, #tpu.memory_space<vmem>>, vector<1x128xf32>,
      %scan3A_1364 = arith.constant 28 : i32
      %scan3A_1365 = arith.addi %scan3A_165, %scan3A_1364 : i32
      %dot_general3A_1366 = arith.constant dense<0.000000e+00> : vector<512x128xf32>
      %dot_general3A_1367 = tpu.matmul %get3A_8, %tanh3A_1325, %dot_general3A_1366 {dimension_numbers = #tpu.dot_dimension_numbers<[0], [0], [1], [1], [0, 1, 1, 1], [], []>, transpose_lhs_hint = false} : vector<512x512xf32>, vector<512x128xf32>, vector<512x128xf32> -> vector<512x128xf32>
      %tanh3A_1368 = math.tanh %dot_general3A_1367 : vector<512x128xf32>
      %dot_general3A_1369 = arith.constant dense<0.000000e+00> : vector<128x128xf32>
      %dot_general3A_1370 = tpu.matmul %get3A_11, %tanh3A_1368, %dot_general3A_1369 {dimension_numbers = #tpu.dot_dimension_numbers<[0], [0], [1], [1], [0, 1, 1, 1], [], []>, transpose_lhs_hint = false} : vector<512x128xf32>, vector<512x128xf32>, vector<128x128xf32> -> vector<128x128xf32>
      %reduce_max3A_1371 = arith.constant dense<0xFF800000> : vector<128xf32>
      %reduce_max3A_1372 = vector.multi_reduction <maximumf>, %dot_general3A_1370, %reduce_max3A_1371 [0] : vector<128x128xf32> to vector<128xf32>
      %broadcast_in_dim3A_1373 = vector.shape_cast %reduce_max3A_1372 : vector<128xf32> to vector<1x128xf32>
      %sub3A_1374 = vector.broadcast %broadcast_in_dim3A_1373 : vector<1x128xf32> to vector<128x128xf32>
      %sub3A_1375 = arith.subf %dot_general3A_1370, %sub3A_1374 : vector<128x128xf32>
      %exp3A_1376 = math.exp %sub3A_1375 : vector<128x128xf32>
      %reduce_sum3A_1377 = arith.constant dense<0.000000e+00> : vector<128xf32>
      %reduce_sum3A_1378 = vector.multi_reduction <add>, %exp3A_1376, %reduce_sum3A_1377 [0] : vector<128x128xf32> to vector<128xf32>
      %broadcast_in_dim3A_1379 = vector.shape_cast %reduce_sum3A_1378 : vector<128xf32> to vector<1x128xf32>
      %eq3A_1380 = vector.broadcast %broadcast_in_dim3A_1373 : vector<1x128xf32> to vector<128x128xf32>
      %eq3A_1381 = arith.cmpf oeq, %dot_general3A_1370, %eq3A_1380 : vector<128x128xf32>
      %jit3A_1382 = arith.constant 128 : i32
      %broadcast_in_dim3A_1383 = vector.broadcast %jit3A_1382 : i32 to vector<128x128xi32>
      %select_n3A_1384 = arith.select %eq3A_1381, %iota3A, %broadcast_in_dim3A_1383 : vector<128x128xi1>, vector<128x128xi32>
      %reduce_min3A_1385 = arith.constant dense<2147483647> : vector<128xi32>
      %reduce_min3A_1386 = vector.multi_reduction <minsi>, %select_n3A_1384, %reduce_min3A_1385 [0] : vector<128x128xi32> to vector<128xi32>
      %broadcast_in_dim3A_1387 = vector.shape_cast %reduce_min3A_1386 : vector<128xi32> to vector<1x128xi32>
      %log3A_1388 = math.log %broadcast_in_dim3A_1379 : vector<1x128xf32>
      %neg3A_1389 = arith.constant 0.000000e+00 : f32
      %neg3A_1390 = vector.broadcast %neg3A_1389 : f32 to vector<1x128xf32>
      %neg3A_1391 = arith.subf %neg3A_1390, %log3A_1388 : vector<1x128xf32>
      %mul3A_1392 = arith.mulf %exp3A_1376, %sub3A_1375 : vector<128x128xf32>
      %reduce_sum3A_1393 = arith.constant dense<0.000000e+00> : vector<128xf32>
      %reduce_sum3A_1394 = vector.multi_reduction <add>, %mul3A_1392, %reduce_sum3A_1393 [0] : vector<128x128xf32> to vector<128xf32>
      %broadcast_in_dim3A_1395 = vector.shape_cast %reduce_sum3A_1394 : vector<128xf32> to vector<1x128xf32>
      %div3A_1396 = arith.divf %broadcast_in_dim3A_1395, %broadcast_in_dim3A_1379 : vector<1x128xf32>
      %sub3A_1397 = arith.subf %log3A_1388, %div3A_1396 : vector<1x128xf32>
      %swap3A_1398 = arith.index_cast %scan3A_1365 : i32 to index
      %swap3A_1399 = arith.constant 0 : index
      %swap3A_1400 = vector.load %arg8[%swap3A_1398, %swap3A_1399] : memref<512x128xi32, #tpu.memory_space<vmem>>, vector<1x128xi32>
      tpu.vector_store %arg8[%swap3A_1398, %swap3A_1399], %broadcast_in_dim3A_1387 {strides = array<i32>} : memref<512x128xi32, #tpu.memory_space<vmem>>, vector<1x128xi32>,
      %swap3A_1401 = arith.index_cast %scan3A_1365 : i32 to index
      %swap3A_1402 = arith.constant 0 : index
      %swap3A_1403 = vector.load %arg9[%swap3A_1401, %swap3A_1402] : memref<512x128xf32, #tpu.memory_space<vmem>>, vector<1x128xf32>
      tpu.vector_store %arg9[%swap3A_1401, %swap3A_1402], %neg3A_1391 {strides = array<i32>} : memref<512x128xf32, #tpu.memory_space<vmem>>, vector<1x128xf32>,
      %swap3A_1404 = arith.index_cast %scan3A_1365 : i32 to index
      %swap3A_1405 = arith.constant 0 : index
      %swap3A_1406 = vector.load %arg10[%swap3A_1404, %swap3A_1405] : memref<512x128xf32, #tpu.memory_space<vmem>>, vector<1x128xf32>
      tpu.vector_store %arg10[%swap3A_1404, %swap3A_1405], %sub3A_1397 {strides = array<i32>} : memref<512x128xf32, #tpu.memory_space<vmem>>, vector<1x128xf32>,
      %scan3A_1407 = arith.constant 29 : i32
      %scan3A_1408 = arith.addi %scan3A_165, %scan3A_1407 : i32
      %dot_general3A_1409 = arith.constant dense<0.000000e+00> : vector<512x128xf32>
      %dot_general3A_1410 = tpu.matmul %get3A_8, %tanh3A_1368, %dot_general3A_1409 {dimension_numbers = #tpu.dot_dimension_numbers<[0], [0], [1], [1], [0, 1, 1, 1], [], []>, transpose_lhs_hint = false} : vector<512x512xf32>, vector<512x128xf32>, vector<512x128xf32> -> vector<512x128xf32>
      %tanh3A_1411 = math.tanh %dot_general3A_1410 : vector<512x128xf32>
      %dot_general3A_1412 = arith.constant dense<0.000000e+00> : vector<128x128xf32>
      %dot_general3A_1413 = tpu.matmul %get3A_11, %tanh3A_1411, %dot_general3A_1412 {dimension_numbers = #tpu.dot_dimension_numbers<[0], [0], [1], [1], [0, 1, 1, 1], [], []>, transpose_lhs_hint = false} : vector<512x128xf32>, vector<512x128xf32>, vector<128x128xf32> -> vector<128x128xf32>
      %reduce_max3A_1414 = arith.constant dense<0xFF800000> : vector<128xf32>
      %reduce_max3A_1415 = vector.multi_reduction <maximumf>, %dot_general3A_1413, %reduce_max3A_1414 [0] : vector<128x128xf32> to vector<128xf32>
      %broadcast_in_dim3A_1416 = vector.shape_cast %reduce_max3A_1415 : vector<128xf32> to vector<1x128xf32>
      %sub3A_1417 = vector.broadcast %broadcast_in_dim3A_1416 : vector<1x128xf32> to vector<128x128xf32>
      %sub3A_1418 = arith.subf %dot_general3A_1413, %sub3A_1417 : vector<128x128xf32>
      %exp3A_1419 = math.exp %sub3A_1418 : vector<128x128xf32>
      %reduce_sum3A_1420 = arith.constant dense<0.000000e+00> : vector<128xf32>
      %reduce_sum3A_1421 = vector.multi_reduction <add>, %exp3A_1419, %reduce_sum3A_1420 [0] : vector<128x128xf32> to vector<128xf32>
      %broadcast_in_dim3A_1422 = vector.shape_cast %reduce_sum3A_1421 : vector<128xf32> to vector<1x128xf32>
      %eq3A_1423 = vector.broadcast %broadcast_in_dim3A_1416 : vector<1x128xf32> to vector<128x128xf32>
      %eq3A_1424 = arith.cmpf oeq, %dot_general3A_1413, %eq3A_1423 : vector<128x128xf32>
      %jit3A_1425 = arith.constant 128 : i32
      %broadcast_in_dim3A_1426 = vector.broadcast %jit3A_1425 : i32 to vector<128x128xi32>
      %select_n3A_1427 = arith.select %eq3A_1424, %iota3A, %broadcast_in_dim3A_1426 : vector<128x128xi1>, vector<128x128xi32>
      %reduce_min3A_1428 = arith.constant dense<2147483647> : vector<128xi32>
      %reduce_min3A_1429 = vector.multi_reduction <minsi>, %select_n3A_1427, %reduce_min3A_1428 [0] : vector<128x128xi32> to vector<128xi32>
      %broadcast_in_dim3A_1430 = vector.shape_cast %reduce_min3A_1429 : vector<128xi32> to vector<1x128xi32>
      %log3A_1431 = math.log %broadcast_in_dim3A_1422 : vector<1x128xf32>
      %neg3A_1432 = arith.constant 0.000000e+00 : f32
      %neg3A_1433 = vector.broadcast %neg3A_1432 : f32 to vector<1x128xf32>
      %neg3A_1434 = arith.subf %neg3A_1433, %log3A_1431 : vector<1x128xf32>
      %mul3A_1435 = arith.mulf %exp3A_1419, %sub3A_1418 : vector<128x128xf32>
      %reduce_sum3A_1436 = arith.constant dense<0.000000e+00> : vector<128xf32>
      %reduce_sum3A_1437 = vector.multi_reduction <add>, %mul3A_1435, %reduce_sum3A_1436 [0] : vector<128x128xf32> to vector<128xf32>
      %broadcast_in_dim3A_1438 = vector.shape_cast %reduce_sum3A_1437 : vector<128xf32> to vector<1x128xf32>
      %div3A_1439 = arith.divf %broadcast_in_dim3A_1438, %broadcast_in_dim3A_1422 : vector<1x128xf32>
      %sub3A_1440 = arith.subf %log3A_1431, %div3A_1439 : vector<1x128xf32>
      %swap3A_1441 = arith.index_cast %scan3A_1408 : i32 to index
      %swap3A_1442 = arith.constant 0 : index
      %swap3A_1443 = vector.load %arg8[%swap3A_1441, %swap3A_1442] : memref<512x128xi32, #tpu.memory_space<vmem>>, vector<1x128xi32>
      tpu.vector_store %arg8[%swap3A_1441, %swap3A_1442], %broadcast_in_dim3A_1430 {strides = array<i32>} : memref<512x128xi32, #tpu.memory_space<vmem>>, vector<1x128xi32>,
      %swap3A_1444 = arith.index_cast %scan3A_1408 : i32 to index
      %swap3A_1445 = arith.constant 0 : index
      %swap3A_1446 = vector.load %arg9[%swap3A_1444, %swap3A_1445] : memref<512x128xf32, #tpu.memory_space<vmem>>, vector<1x128xf32>
      tpu.vector_store %arg9[%swap3A_1444, %swap3A_1445], %neg3A_1434 {strides = array<i32>} : memref<512x128xf32, #tpu.memory_space<vmem>>, vector<1x128xf32>,
      %swap3A_1447 = arith.index_cast %scan3A_1408 : i32 to index
      %swap3A_1448 = arith.constant 0 : index
      %swap3A_1449 = vector.load %arg10[%swap3A_1447, %swap3A_1448] : memref<512x128xf32, #tpu.memory_space<vmem>>, vector<1x128xf32>
      tpu.vector_store %arg10[%swap3A_1447, %swap3A_1448], %sub3A_1440 {strides = array<i32>} : memref<512x128xf32, #tpu.memory_space<vmem>>, vector<1x128xf32>,
      %scan3A_1450 = arith.constant 30 : i32
      %scan3A_1451 = arith.addi %scan3A_165, %scan3A_1450 : i32
      %dot_general3A_1452 = arith.constant dense<0.000000e+00> : vector<512x128xf32>
      %dot_general3A_1453 = tpu.matmul %get3A_8, %tanh3A_1411, %dot_general3A_1452 {dimension_numbers = #tpu.dot_dimension_numbers<[0], [0], [1], [1], [0, 1, 1, 1], [], []>, transpose_lhs_hint = false} : vector<512x512xf32>, vector<512x128xf32>, vector<512x128xf32> -> vector<512x128xf32>
      %tanh3A_1454 = math.tanh %dot_general3A_1453 : vector<512x128xf32>
      %dot_general3A_1455 = arith.constant dense<0.000000e+00> : vector<128x128xf32>
      %dot_general3A_1456 = tpu.matmul %get3A_11, %tanh3A_1454, %dot_general3A_1455 {dimension_numbers = #tpu.dot_dimension_numbers<[0], [0], [1], [1], [0, 1, 1, 1], [], []>, transpose_lhs_hint = false} : vector<512x128xf32>, vector<512x128xf32>, vector<128x128xf32> -> vector<128x128xf32>
      %reduce_max3A_1457 = arith.constant dense<0xFF800000> : vector<128xf32>
      %reduce_max3A_1458 = vector.multi_reduction <maximumf>, %dot_general3A_1456, %reduce_max3A_1457 [0] : vector<128x128xf32> to vector<128xf32>
      %broadcast_in_dim3A_1459 = vector.shape_cast %reduce_max3A_1458 : vector<128xf32> to vector<1x128xf32>
      %sub3A_1460 = vector.broadcast %broadcast_in_dim3A_1459 : vector<1x128xf32> to vector<128x128xf32>
      %sub3A_1461 = arith.subf %dot_general3A_1456, %sub3A_1460 : vector<128x128xf32>
      %exp3A_1462 = math.exp %sub3A_1461 : vector<128x128xf32>
      %reduce_sum3A_1463 = arith.constant dense<0.000000e+00> : vector<128xf32>
      %reduce_sum3A_1464 = vector.multi_reduction <add>, %exp3A_1462, %reduce_sum3A_1463 [0] : vector<128x128xf32> to vector<128xf32>
      %broadcast_in_dim3A_1465 = vector.shape_cast %reduce_sum3A_1464 : vector<128xf32> to vector<1x128xf32>
      %eq3A_1466 = vector.broadcast %broadcast_in_dim3A_1459 : vector<1x128xf32> to vector<128x128xf32>
      %eq3A_1467 = arith.cmpf oeq, %dot_general3A_1456, %eq3A_1466 : vector<128x128xf32>
      %jit3A_1468 = arith.constant 128 : i32
      %broadcast_in_dim3A_1469 = vector.broadcast %jit3A_1468 : i32 to vector<128x128xi32>
      %select_n3A_1470 = arith.select %eq3A_1467, %iota3A, %broadcast_in_dim3A_1469 : vector<128x128xi1>, vector<128x128xi32>
      %reduce_min3A_1471 = arith.constant dense<2147483647> : vector<128xi32>
      %reduce_min3A_1472 = vector.multi_reduction <minsi>, %select_n3A_1470, %reduce_min3A_1471 [0] : vector<128x128xi32> to vector<128xi32>
      %broadcast_in_dim3A_1473 = vector.shape_cast %reduce_min3A_1472 : vector<128xi32> to vector<1x128xi32>
      %log3A_1474 = math.log %broadcast_in_dim3A_1465 : vector<1x128xf32>
      %neg3A_1475 = arith.constant 0.000000e+00 : f32
      %neg3A_1476 = vector.broadcast %neg3A_1475 : f32 to vector<1x128xf32>
      %neg3A_1477 = arith.subf %neg3A_1476, %log3A_1474 : vector<1x128xf32>
      %mul3A_1478 = arith.mulf %exp3A_1462, %sub3A_1461 : vector<128x128xf32>
      %reduce_sum3A_1479 = arith.constant dense<0.000000e+00> : vector<128xf32>
      %reduce_sum3A_1480 = vector.multi_reduction <add>, %mul3A_1478, %reduce_sum3A_1479 [0] : vector<128x128xf32> to vector<128xf32>
      %broadcast_in_dim3A_1481 = vector.shape_cast %reduce_sum3A_1480 : vector<128xf32> to vector<1x128xf32>
      %div3A_1482 = arith.divf %broadcast_in_dim3A_1481, %broadcast_in_dim3A_1465 : vector<1x128xf32>
      %sub3A_1483 = arith.subf %log3A_1474, %div3A_1482 : vector<1x128xf32>
      %swap3A_1484 = arith.index_cast %scan3A_1451 : i32 to index
      %swap3A_1485 = arith.constant 0 : index
      %swap3A_1486 = vector.load %arg8[%swap3A_1484, %swap3A_1485] : memref<512x128xi32, #tpu.memory_space<vmem>>, vector<1x128xi32>
      tpu.vector_store %arg8[%swap3A_1484, %swap3A_1485], %broadcast_in_dim3A_1473 {strides = array<i32>} : memref<512x128xi32, #tpu.memory_space<vmem>>, vector<1x128xi32>,
      %swap3A_1487 = arith.index_cast %scan3A_1451 : i32 to index
      %swap3A_1488 = arith.constant 0 : index
      %swap3A_1489 = vector.load %arg9[%swap3A_1487, %swap3A_1488] : memref<512x128xf32, #tpu.memory_space<vmem>>, vector<1x128xf32>
      tpu.vector_store %arg9[%swap3A_1487, %swap3A_1488], %neg3A_1477 {strides = array<i32>} : memref<512x128xf32, #tpu.memory_space<vmem>>, vector<1x128xf32>,
      %swap3A_1490 = arith.index_cast %scan3A_1451 : i32 to index
      %swap3A_1491 = arith.constant 0 : index
      %swap3A_1492 = vector.load %arg10[%swap3A_1490, %swap3A_1491] : memref<512x128xf32, #tpu.memory_space<vmem>>, vector<1x128xf32>
      tpu.vector_store %arg10[%swap3A_1490, %swap3A_1491], %sub3A_1483 {strides = array<i32>} : memref<512x128xf32, #tpu.memory_space<vmem>>, vector<1x128xf32>,
      %scan3A_1493 = arith.constant 31 : i32
      %scan3A_1494 = arith.addi %scan3A_165, %scan3A_1493 : i32
      %dot_general3A_1495 = arith.constant dense<0.000000e+00> : vector<512x128xf32>
      %dot_general3A_1496 = tpu.matmul %get3A_8, %tanh3A_1454, %dot_general3A_1495 {dimension_numbers = #tpu.dot_dimension_numbers<[0], [0], [1], [1], [0, 1, 1, 1], [], []>, transpose_lhs_hint = false} : vector<512x512xf32>, vector<512x128xf32>, vector<512x128xf32> -> vector<512x128xf32>
      %tanh3A_1497 = math.tanh %dot_general3A_1496 : vector<512x128xf32>
      %dot_general3A_1498 = arith.constant dense<0.000000e+00> : vector<128x128xf32>
      %dot_general3A_1499 = tpu.matmul %get3A_11, %tanh3A_1497, %dot_general3A_1498 {dimension_numbers = #tpu.dot_dimension_numbers<[0], [0], [1], [1], [0, 1, 1, 1], [], []>, transpose_lhs_hint = false} : vector<512x128xf32>, vector<512x128xf32>, vector<128x128xf32> -> vector<128x128xf32>
      %reduce_max3A_1500 = arith.constant dense<0xFF800000> : vector<128xf32>
      %reduce_max3A_1501 = vector.multi_reduction <maximumf>, %dot_general3A_1499, %reduce_max3A_1500 [0] : vector<128x128xf32> to vector<128xf32>
      %broadcast_in_dim3A_1502 = vector.shape_cast %reduce_max3A_1501 : vector<128xf32> to vector<1x128xf32>
      %sub3A_1503 = vector.broadcast %broadcast_in_dim3A_1502 : vector<1x128xf32> to vector<128x128xf32>
      %sub3A_1504 = arith.subf %dot_general3A_1499, %sub3A_1503 : vector<128x128xf32>
      %exp3A_1505 = math.exp %sub3A_1504 : vector<128x128xf32>
      %reduce_sum3A_1506 = arith.constant dense<0.000000e+00> : vector<128xf32>
      %reduce_sum3A_1507 = vector.multi_reduction <add>, %exp3A_1505, %reduce_sum3A_1506 [0] : vector<128x128xf32> to vector<128xf32>
      %broadcast_in_dim3A_1508 = vector.shape_cast %reduce_sum3A_1507 : vector<128xf32> to vector<1x128xf32>
      %eq3A_1509 = vector.broadcast %broadcast_in_dim3A_1502 : vector<1x128xf32> to vector<128x128xf32>
      %eq3A_1510 = arith.cmpf oeq, %dot_general3A_1499, %eq3A_1509 : vector<128x128xf32>
      %jit3A_1511 = arith.constant 128 : i32
      %broadcast_in_dim3A_1512 = vector.broadcast %jit3A_1511 : i32 to vector<128x128xi32>
      %select_n3A_1513 = arith.select %eq3A_1510, %iota3A, %broadcast_in_dim3A_1512 : vector<128x128xi1>, vector<128x128xi32>
      %reduce_min3A_1514 = arith.constant dense<2147483647> : vector<128xi32>
      %reduce_min3A_1515 = vector.multi_reduction <minsi>, %select_n3A_1513, %reduce_min3A_1514 [0] : vector<128x128xi32> to vector<128xi32>
      %broadcast_in_dim3A_1516 = vector.shape_cast %reduce_min3A_1515 : vector<128xi32> to vector<1x128xi32>
      %log3A_1517 = math.log %broadcast_in_dim3A_1508 : vector<1x128xf32>
      %neg3A_1518 = arith.constant 0.000000e+00 : f32
      %neg3A_1519 = vector.broadcast %neg3A_1518 : f32 to vector<1x128xf32>
      %neg3A_1520 = arith.subf %neg3A_1519, %log3A_1517 : vector<1x128xf32>
      %mul3A_1521 = arith.mulf %exp3A_1505, %sub3A_1504 : vector<128x128xf32>
      %reduce_sum3A_1522 = arith.constant dense<0.000000e+00> : vector<128xf32>
      %reduce_sum3A_1523 = vector.multi_reduction <add>, %mul3A_1521, %reduce_sum3A_1522 [0] : vector<128x128xf32> to vector<128xf32>
      %broadcast_in_dim3A_1524 = vector.shape_cast %reduce_sum3A_1523 : vector<128xf32> to vector<1x128xf32>
      %div3A_1525 = arith.divf %broadcast_in_dim3A_1524, %broadcast_in_dim3A_1508 : vector<1x128xf32>
      %sub3A_1526 = arith.subf %log3A_1517, %div3A_1525 : vector<1x128xf32>
      %swap3A_1527 = arith.index_cast %scan3A_1494 : i32 to index
      %swap3A_1528 = arith.constant 0 : index
      %swap3A_1529 = vector.load %arg8[%swap3A_1527, %swap3A_1528] : memref<512x128xi32, #tpu.memory_space<vmem>>, vector<1x128xi32>
      tpu.vector_store %arg8[%swap3A_1527, %swap3A_1528], %broadcast_in_dim3A_1516 {strides = array<i32>} : memref<512x128xi32, #tpu.memory_space<vmem>>, vector<1x128xi32>,
      %swap3A_1530 = arith.index_cast %scan3A_1494 : i32 to index
      %swap3A_1531 = arith.constant 0 : index
      %swap3A_1532 = vector.load %arg9[%swap3A_1530, %swap3A_1531] : memref<512x128xf32, #tpu.memory_space<vmem>>, vector<1x128xf32>
      tpu.vector_store %arg9[%swap3A_1530, %swap3A_1531], %neg3A_1520 {strides = array<i32>} : memref<512x128xf32, #tpu.memory_space<vmem>>, vector<1x128xf32>,
      %swap3A_1533 = arith.index_cast %scan3A_1494 : i32 to index
      %swap3A_1534 = arith.constant 0 : index
      %swap3A_1535 = vector.load %arg10[%swap3A_1533, %swap3A_1534] : memref<512x128xf32, #tpu.memory_space<vmem>>, vector<1x128xf32>
      tpu.vector_store %arg10[%swap3A_1533, %swap3A_1534], %sub3A_1526 {strides = array<i32>} : memref<512x128xf32, #tpu.memory_space<vmem>>, vector<1x128xf32>,
      scf.yield %tanh3A_1497 : vector<512x128xf32>
    }
    %scan3A_16 = arith.constant 512 : i32
    %get3A_17 = arith.constant 0 : index
    %get3A_18 = arith.constant 0 : index
    %get3A_19 = vector.load %arg8[%get3A_17, %get3A_18] : memref<512x128xi32, #tpu.memory_space<vmem>>, vector<512x128xi32>
    %iota3A_20 = tpu.iota {dimensions = array<i32: 0>} : vector<512x128xi32>
    %eq3A = arith.constant 0 : i32
    %eq3A_21 = vector.broadcast %eq3A : i32 to vector<512x128xi32>
    %eq3A_22 = arith.cmpi eq, %get3A_19, %eq3A_21 : vector<512x128xi32>
    %jit3A = arith.constant 512 : i32
    %broadcast_in_dim3A = vector.broadcast %jit3A : i32 to vector<512x128xi32>
    %select_n3A = arith.select %eq3A_22, %iota3A_20, %broadcast_in_dim3A : vector<512x128xi1>, vector<512x128xi32>
    %reduce_min3A = arith.constant dense<2147483647> : vector<128xi32>
    %reduce_min3A_23 = vector.multi_reduction <minsi>, %select_n3A, %reduce_min3A [0] : vector<512x128xi32> to vector<128xi32>
    %broadcast_in_dim3A_24 = vector.shape_cast %reduce_min3A_23 : vector<128xi32> to vector<1x128xi32>
    %add3A = arith.constant 1 : i32
    %add3A_25 = vector.broadcast %add3A : i32 to vector<1x128xi32>
    %add3A_26 = arith.addi %broadcast_in_dim3A_24, %add3A_25 : vector<1x128xi32>
    %min3A = arith.constant 512 : i32
    %min3A_27 = vector.broadcast %min3A : i32 to vector<1x128xi32>
    %min3A_28 = arith.minsi %add3A_26, %min3A_27 : vector<1x128xi32>
    %sub3A = arith.constant 1 : i32
    %sub3A_29 = vector.broadcast %sub3A : i32 to vector<1x128xi32>
    %sub3A_30 = arith.subi %min3A_28, %sub3A_29 : vector<1x128xi32>
    %convert_element_type3A = arith.sitofp %sub3A_30 : vector<1x128xi32> to vector<1x128xf32>
    %iota3A_31 = tpu.iota {dimensions = array<i32: 0>} : vector<128x128xi32>
    %iota3A_32 = tpu.iota {dimensions = array<i32: 1>} : vector<128x128xi32>
    %jit3A_33 = arith.constant 8 : i32
    %div3A = vector.broadcast %jit3A_33 : i32 to vector<128x128xi32>
    %div3A_34 = arith.divsi %iota3A_31, %div3A : vector<128x128xi32>
    %sign3A = arith.constant 0 : i32
    %sign3A_35 = vector.broadcast %sign3A : i32 to vector<128x128xi32>
    %sign3A_36 = arith.cmpi sgt, %iota3A_31, %sign3A_35 : vector<128x128xi32>
    %sign3A_37 = arith.extui %sign3A_36 : vector<128x128xi1> to vector<128x128xi32>
    %sign3A_38 = arith.constant 0 : i32
    %sign3A_39 = vector.broadcast %sign3A_38 : i32 to vector<128x128xi32>
    %sign3A_40 = arith.cmpi slt, %iota3A_31, %sign3A_39 : vector<128x128xi32>
    %sign3A_41 = arith.extui %sign3A_40 : vector<128x128xi1> to vector<128x128xi32>
    %sign3A_42 = arith.subi %sign3A_37, %sign3A_41 : vector<128x128xi32>
    %sign3A_43 = arith.constant 0 : i32
    %sign3A_44 = arith.cmpi sgt, %jit3A_33, %sign3A_43 : i32
    %sign3A_45 = arith.extui %sign3A_44 : i1 to i32
    %sign3A_46 = arith.constant 0 : i32
    %sign3A_47 = arith.cmpi slt, %jit3A_33, %sign3A_46 : i32
    %sign3A_48 = arith.extui %sign3A_47 : i1 to i32
    %sign3A_49 = arith.subi %sign3A_45, %sign3A_48 : i32
    %ne3A = vector.broadcast %sign3A_49 : i32 to vector<128x128xi32>
    %ne3A_50 = arith.cmpi ne, %sign3A_42, %ne3A : vector<128x128xi32>
    %rem3A = vector.broadcast %jit3A_33 : i32 to vector<128x128xi32>
    %rem3A_51 = arith.remsi %iota3A_31, %rem3A : vector<128x128xi32>
    %ne3A_52 = arith.constant 0 : i32
    %ne3A_53 = vector.broadcast %ne3A_52 : i32 to vector<128x128xi32>
    %ne3A_54 = arith.cmpi ne, %rem3A_51, %ne3A_53 : vector<128x128xi32>
    %and3A = arith.andi %ne3A_50, %ne3A_54 : vector<128x128xi1>
    %sub3A_55 = arith.constant 1 : i32
    %sub3A_56 = vector.broadcast %sub3A_55 : i32 to vector<128x128xi32>
    %sub3A_57 = arith.subi %div3A_34, %sub3A_56 : vector<128x128xi32>
    %select_n3A_58 = arith.select %and3A, %sub3A_57, %div3A_34 : vector<128x128xi1>, vector<128x128xi32>
    %jit3A_59 = arith.constant 8 : i32
    %div3A_60 = vector.broadcast %jit3A_59 : i32 to vector<128x128xi32>
    %div3A_61 = arith.divsi %iota3A_32, %div3A_60 : vector<128x128xi32>
    %sign3A_62 = arith.constant 0 : i32
    %sign3A_63 = vector.broadcast %sign3A_62 : i32 to vector<128x128xi32>
    %sign3A_64 = arith.cmpi sgt, %iota3A_32, %sign3A_63 : vector<128x128xi32>
    %sign3A_65 = arith.extui %sign3A_64 : vector<128x128xi1> to vector<128x128xi32>
    %sign3A_66 = arith.constant 0 : i32
    %sign3A_67 = vector.broadcast %sign3A_66 : i32 to vector<128x128xi32>
    %sign3A_68 = arith.cmpi slt, %iota3A_32, %sign3A_67 : vector<128x128xi32>
    %sign3A_69 = arith.extui %sign3A_68 : vector<128x128xi1> to vector<128x128xi32>
    %sign3A_70 = arith.subi %sign3A_65, %sign3A_69 : vector<128x128xi32>
    %sign3A_71 = arith.constant 0 : i32
    %sign3A_72 = arith.cmpi sgt, %jit3A_59, %sign3A_71 : i32
    %sign3A_73 = arith.extui %sign3A_72 : i1 to i32
    %sign3A_74 = arith.constant 0 : i32
    %sign3A_75 = arith.cmpi slt, %jit3A_59, %sign3A_74 : i32
    %sign3A_76 = arith.extui %sign3A_75 : i1 to i32
    %sign3A_77 = arith.subi %sign3A_73, %sign3A_76 : i32
    %ne3A_78 = vector.broadcast %sign3A_77 : i32 to vector<128x128xi32>
    %ne3A_79 = arith.cmpi ne, %sign3A_70, %ne3A_78 : vector<128x128xi32>
    %rem3A_80 = vector.broadcast %jit3A_59 : i32 to vector<128x128xi32>
    %rem3A_81 = arith.remsi %iota3A_32, %rem3A_80 : vector<128x128xi32>
    %ne3A_82 = arith.constant 0 : i32
    %ne3A_83 = vector.broadcast %ne3A_82 : i32 to vector<128x128xi32>
    %ne3A_84 = arith.cmpi ne, %rem3A_81, %ne3A_83 : vector<128x128xi32>
    %and3A_85 = arith.andi %ne3A_79, %ne3A_84 : vector<128x128xi1>
    %sub3A_86 = arith.constant 1 : i32
    %sub3A_87 = vector.broadcast %sub3A_86 : i32 to vector<128x128xi32>
    %sub3A_88 = arith.subi %div3A_61, %sub3A_87 : vector<128x128xi32>
    %select_n3A_89 = arith.select %and3A_85, %sub3A_88, %div3A_61 : vector<128x128xi1>, vector<128x128xi32>
    %eq3A_90 = arith.cmpi eq, %select_n3A_58, %select_n3A_89 : vector<128x128xi32>
    %lt3A = arith.cmpi slt, %iota3A_31, %iota3A_32 : vector<128x128xi32>
    %and3A_91 = arith.andi %eq3A_90, %lt3A : vector<128x128xi1>
    %jit3A_92 = arith.constant 1.000000e+00 : f32
    %jit3A_93 = arith.constant 0.000000e+00 : f32
    %broadcast_in_dim3A_94 = vector.broadcast %jit3A_92 : f32 to vector<128x128xf32>
    %broadcast_in_dim3A_95 = vector.broadcast %jit3A_93 : f32 to vector<128x128xf32>
    %select_n3A_96 = arith.select %and3A_91, %broadcast_in_dim3A_94, %broadcast_in_dim3A_95 : vector<128x128xi1>, vector<128x128xf32>
    %jit3A_97 = arith.constant 1.000000e+00 : f32
    %jit3A_98 = arith.constant 0.000000e+00 : f32
    %broadcast_in_dim3A_99 = vector.broadcast %jit3A_97 : f32 to vector<128x128xf32>
    %broadcast_in_dim3A_100 = vector.broadcast %jit3A_98 : f32 to vector<128x128xf32>
    %select_n3A_101 = arith.select %eq3A_90, %broadcast_in_dim3A_99, %broadcast_in_dim3A_100 : vector<128x128xi1>, vector<128x128xf32>
    %dot_general3A_102 = arith.constant dense<0.000000e+00> : vector<1x128xf32>
    %dot_general3A_103 = tpu.matmul %convert_element_type3A, %select_n3A_96, %dot_general3A_102 {dimension_numbers = #tpu.dot_dimension_numbers<[1], [0], [0], [1], [0, 0, 1, 1], [], []>, precision = #tpu.contract_precision<fp32>, transpose_lhs_hint = false} : vector<1x128xf32>, vector<128x128xf32>, vector<1x128xf32> -> vector<1x128xf32>
    %dot_general3A_104 = arith.constant dense<0.000000e+00> : vector<1x128xf32>
    %dot_general3A_105 = tpu.matmul %convert_element_type3A, %select_n3A_101, %dot_general3A_104 {dimension_numbers = #tpu.dot_dimension_numbers<[1], [0], [0], [1], [0, 0, 1, 1], [], []>, precision = #tpu.contract_precision<fp32>, transpose_lhs_hint = false} : vector<1x128xf32>, vector<128x128xf32>, vector<1x128xf32> -> vector<1x128xf32>
    %iota3A_106 = tpu.iota {dimensions = array<i32: 1>} : vector<1x128xi32>
    %jit3A_107 = arith.constant 8 : i32
    %eq3A_108 = arith.constant 0 : i32
    %eq3A_109 = arith.cmpi eq, %jit3A_107, %eq3A_108 : i32
    %jit3A_110 = arith.constant 1 : i32
    %select_n3A_111 = arith.select %eq3A_109, %jit3A_110, %jit3A_107 : i32
    %rem3A_112 = vector.broadcast %select_n3A_111 : i32 to vector<1x128xi32>
    %rem3A_113 = arith.remsi %iota3A_106, %rem3A_112 : vector<1x128xi32>
    %ne3A_114 = arith.constant 0 : i32
    %ne3A_115 = vector.broadcast %ne3A_114 : i32 to vector<1x128xi32>
    %ne3A_116 = arith.cmpi ne, %rem3A_113, %ne3A_115 : vector<1x128xi32>
    %lt3A_117 = arith.constant 0 : i32
    %lt3A_118 = vector.broadcast %lt3A_117 : i32 to vector<1x128xi32>
    %lt3A_119 = arith.cmpi slt, %rem3A_113, %lt3A_118 : vector<1x128xi32>
    %lt3A_120 = arith.constant 0 : i32
    %lt3A_121 = arith.cmpi slt, %select_n3A_111, %lt3A_120 : i32
    %ne3A_122 = vector.broadcast %lt3A_121 : i1 to vector<1x128xi1>
    %ne3A_123 = vector.broadcast %ne3A_122 : vector<1x128xi1> to vector<1x128xi1>
    %ne3A_124 = arith.xori %lt3A_119, %ne3A_123 : vector<1x128xi1>
    %and3A_125 = arith.andi %ne3A_124, %ne3A_116 : vector<1x128xi1>
    %add3A_126 = vector.broadcast %select_n3A_111 : i32 to vector<1x128xi32>
    %add3A_127 = arith.addi %rem3A_113, %add3A_126 : vector<1x128xi32>
    %select_n3A_128 = arith.select %and3A_125, %add3A_127, %rem3A_113 : vector<1x128xi1>, vector<1x128xi32>
    %convert_element_type3A_129 = arith.sitofp %select_n3A_128 : vector<1x128xi32> to vector<1x128xf32>
    %mul3A = arith.constant 5.120000e+02 : f32
    %mul3A_130 = vector.broadcast %mul3A : f32 to vector<1x128xf32>
    %mul3A_131 = arith.mulf %convert_element_type3A_129, %mul3A_130 : vector<1x128xf32>
    %sub3A_132 = arith.subf %mul3A_131, %dot_general3A_103 : vector<1x128xf32>
    %convert_element_type3A_133 = arith.sitofp %iota3A_20 : vector<512x128xi32> to vector<512x128xf32>
    %lt3A_134 = vector.broadcast %sub3A_30 : vector<1x128xi32> to vector<512x128xi32>
    %lt3A_135 = arith.cmpi slt, %iota3A_20, %lt3A_134 : vector<512x128xi32>
    %add3A_136 = vector.broadcast %dot_general3A_103 : vector<1x128xf32> to vector<512x128xf32>
    %add3A_137 = arith.addf %add3A_136, %convert_element_type3A_133 : vector<512x128xf32>
    %add3A_138 = arith.addf %dot_general3A_105, %sub3A_132 : vector<1x128xf32>
    %add3A_139 = vector.broadcast %add3A_138 : vector<1x128xf32> to vector<512x128xf32>
    %add3A_140 = arith.addf %add3A_139, %convert_element_type3A_133 : vector<512x128xf32>
    %sub3A_141 = vector.broadcast %convert_element_type3A : vector<1x128xf32> to vector<512x128xf32>
    %sub3A_142 = arith.subf %add3A_140, %sub3A_141 : vector<512x128xf32>
    %select_n3A_143 = arith.select %lt3A_135, %add3A_137, %sub3A_142 : vector<512x128xi1>, vector<512x128xf32>
    %transpose3A = tpu.transpose %get3A_19, [1, 0] : vector<512x128xi32> -> vector<128x512xi32>
    %swap3A = arith.constant 0 : index
    %swap3A_144 = arith.constant 0 : index
    %swap3A_145 = vector.load %arg4[%swap3A, %swap3A_144] : memref<128x512xi32, #tpu.memory_space<vmem>>, vector<128x512xi32>
    tpu.vector_store %arg4[%swap3A, %swap3A_144], %transpose3A {strides = array<i32>} : memref<128x512xi32, #tpu.memory_space<vmem>>, vector<128x512xi32>,
    %get3A_146 = arith.constant 0 : index
    %get3A_147 = arith.constant 0 : index
    %get3A_148 = vector.load %arg9[%get3A_146, %get3A_147] : memref<512x128xf32, #tpu.memory_space<vmem>>, vector<512x128xf32>
    %transpose3A_149 = tpu.transpose %get3A_148, [1, 0] : vector<512x128xf32> -> vector<128x512xf32>
    %swap3A_150 = arith.constant 0 : index
    %swap3A_151 = arith.constant 0 : index
    %swap3A_152 = vector.load %arg5[%swap3A_150, %swap3A_151] : memref<128x512xf32, #tpu.memory_space<vmem>>, vector<128x512xf32>
    tpu.vector_store %arg5[%swap3A_150, %swap3A_151], %transpose3A_149 {strides = array<i32>} : memref<128x512xf32, #tpu.memory_space<vmem>>, vector<128x512xf32>,
    %get3A_153 = arith.constant 0 : index
    %get3A_154 = arith.constant 0 : index
    %get3A_155 = vector.load %arg10[%get3A_153, %get3A_154] : memref<512x128xf32, #tpu.memory_space<vmem>>, vector<512x128xf32>
    %transpose3A_156 = tpu.transpose %get3A_155, [1, 0] : vector<512x128xf32> -> vector<128x512xf32>
    %swap3A_157 = arith.constant 0 : index
    %swap3A_158 = arith.constant 0 : index
    %swap3A_159 = vector.load %arg6[%swap3A_157, %swap3A_158] : memref<128x512xf32, #tpu.memory_space<vmem>>, vector<128x512xf32>
    tpu.vector_store %arg6[%swap3A_157, %swap3A_158], %transpose3A_156 {strides = array<i32>} : memref<128x512xf32, #tpu.memory_space<vmem>>, vector<128x512xf32>,
    %convert_element_type3A_160 = arith.fptosi %select_n3A_143 : vector<512x128xf32> to vector<512x128xi32>
    %transpose3A_161 = tpu.transpose %convert_element_type3A_160, [1, 0] : vector<512x128xi32> -> vector<128x512xi32>
    %swap3A_162 = arith.constant 0 : index
    %swap3A_163 = arith.constant 0 : index
    %swap3A_164 = vector.load %arg7[%swap3A_162, %swap3A_163] : memref<128x512xi32, #tpu.memory_space<vmem>>, vector<128x512xi32>
    tpu.vector_store %arg7[%swap3A_162, %swap3A_163], %transpose3A_161 {strides = array<i32>} : memref<128x512xi32, #tpu.memory_space<vmem>>, vector<128x512xi32>,
    return
  }
}

</mosaic_0001>

<sc_bundles>
// kernel: kernel.4.cloned.1.call-start
scs
__scs_entry_jumppad:
0x0: {  	(pc) =	sbr.rel $0x88, $3  }
0x1: {  	(tag) =	ssettag $0x0;
	lr =	simm.s32 $0x1  }
0x2: {  	[smem:$0x3F9D] =	sst lr;
	_ =	strace $0xD0000000  }
0x3: {  	_ = 	snop  }
0x4: {  	_ = 	snop  }
0x5: {  	_ = 	snop  }
0x6: {  	_ = 	snop  }
0x7: {  	_ = 	snop  }
__scs_overlays_trampoline_lowered:
0x8: {  	[smem:$0x3FAC] =	sst s0  }
0x9: {  	[smem:$0x3FAD] =	sst s1  }
0xa: {  	[smem:$0x3FAE] =	sst s2  }
0xb: {  	[smem:$0x3FAF] =	sst s3  }
0xc: {  	[smem:$0x3FB0] =	sst s4  }
0xd: {  	[smem:$0x3FB1] =	sst s5  }
0xe: {  	[smem:$0x3FB2] =	sst s6  }
0xf: {  	[smem:$0x3FB3] =	sst s7  }
0x10: {  	[smem:$0x3FB4] =	sst s8  }
0x11: {  	[smem:$0x3FB5] =	sst s9;
	s0 =	simm.s32 @!p0 $0x0  }
0x12: {  	s1 =	sld [smem:$0x3F9B];
	s0 =	simm.s32 @p0 $0x1  }
0x13: {  	[smem:$0x3FB6] =	sst s0;
	s0 =	simm.s32 @!p1 $0x0  }
0x14: {  	s2 =	sld [smem:$0x3F9A];
	s0 =	simm.s32 @p1 $0x1  }
0x15: {  	[smem:$0x3FB7] =	sst s0;
	s0 =	simm.s32 @!p2 $0x0  }
0x16: {  	s3 =	sld [smem:$0x3FDB];
	s0 =	simm.s32 @p2 $0x1  }
0x17: {  	s4 =	simm.s32 $0x1BF5;
	[smem:$0x3FB9] =	sst s0  }
0x18: {  	s0 =	sld [smem:$0x3F9C];
	_ =	swait.ge [sflag:s4], $0x0  }
0x19: {  	s7 =	sld [smem:$0x3F9D]  }
0x1a: {  	s8 =	sadd.s32 $0xFFFFE003, lr  }
0x1b: {  	s9 =	sadd.s32 $0xFFFFFEF7, lr;
	s5 =	simm.s32 $0xFFFFFFFF;
	p2 =	slt.u32 s8, $0xFFFFF086  }
0x1c: {  	p1 =	slt.u32 s9, $0xF7A;
	s5 =	simm.s32 @!p2 $0x0  }
0x1d: {  	s5 =	simm.s32 @p1 $0x1;
	p0 =	seq.s32 s7, s2  }
0x1e: {  	s7 =	smul.u32 @!p0 $0xF7A, s2;
	p2 =	seq.s32 @!p0 s5, $0x0  }
0x1f: {  	s9 =	smul.u32 $0xF7A, s1;
	s8 =	simm.s32 @!p0 $0x1BF5;
	p2 =	por !p2, p0  }
0x20: {  	[sflag:s8] =	ssyncset.s32 @!p0 $0xFFFFF086;
	s6 =	sadd.s32 @!p0 s3, s7;
	s7 =	simm.s32 @!p0 $0x108  }
0x21: {  	s3 =	sadd.s32 s3, s9;
	s6 =	sadd.s32 @!p0 $0x88, s6;
	s7 =	simm.s32 @p2 $0x1082  }
0x22: {  	[simem:s7], [sflag:s8] =	dma.local @!p0 [hbm:s6], $0xF7A  }
0x23: {  	s9 =	sor.u32 $0xD0000000, s2;
	s6 =	simm.s32 $0x108;
	_ =	swait.ge @!p0 [sflag:s8], $0x0  }
0x24: {  	s3 =	sadd.s32 $0x88, s3;
	s6 =	simm.s32 @!p1 $0x1082;
	[sflag:s4] =	ssyncset.s32 $0xFFFFF086  }
0x25: {  	[simem:s6], [sflag:s4] =	dma.local [hbm:s3], $0xF7A  }
0x26: {  	[smem:$0x3F9D] =	sst s1;
	(tag) =	ssettag s2;
	_ =	strace s9  }
0x27: {  	s1 =	sld [smem:$0x3FAD]  }
0x28: {  	s2 =	sld [smem:$0x3FAE]  }
0x29: {  	s4 =	sld [smem:$0x3FB0]  }
0x2a: {  	p0 =	seq.s32 s5, $0x0;
	s5 =	sld [smem:$0x3FB1]  }
0x2b: {  	s6 =	sld [smem:$0x3FB2]  }
0x2c: {  	s7 =	sld [smem:$0x3FB3]  }
0x2d: {  	s3 =	simm.s32 $0x108;
	s8 =	sld [smem:$0x3FB4]  }
0x2e: {  	s3 =	simm.s32 @!p0 $0x1082;
	s9 =	sld [smem:$0x3FB5]  }
0x2f: {  	lr =	sadd.s32 s0, s3;
	s0 =	sld [smem:$0x3FAC]  }
0x30: {  	s3 =	sld [smem:$0x3FAF]  }
0x31: {  	[smem:$0x3FB8] =	sst s10  }
0x32: {  	s10 =	sld [smem:$0x3FB6];
	_ =	sdelay $0x3  }
0x33: {  	p0 =	seq.s32 s10, $0x1;
	s10 =	sld [smem:$0x3FB8];
	_ =	sdelay $0x3  }
0x34: {  	[smem:$0x3FB8] =	sst s10  }
0x35: {  	s10 =	sld [smem:$0x3FB7];
	_ =	sdelay $0x3  }
0x36: {  	p1 =	seq.s32 s10, $0x1;
	s10 =	sld [smem:$0x3FB8];
	_ =	sdelay $0x3  }
0x37: {  	[smem:$0x3FB8] =	sst s10  }
0x38: {  	s10 =	sld [smem:$0x3FB9]  }
0x39: {  	_ = 	snop;
	(pc) =	sbr.ind lr, $3  }
0x3a: {  	_ = 	snop  }
0x3b: {  	_ = 	snop  }
0x3c: {  	p2 =	seq.s32 s10, $0x1;
	s10 =	sld [smem:$0x3FB8]  }
0x3d: {  	_ =	shalt  }
0x3e: {  	_ =	shalt  }
0x3f: {  	_ =	shalt  }
0x40: {  	_ =	shalt  }
0x41: {  	_ =	shalt  }
0x42: {  	_ =	shalt  }
0x43: {  	_ =	shalt  }
0x44: {  	_ =	shalt  }
0x45: {  	_ =	shalt  }
0x46: {  	_ =	shalt  }
0x47: {  	_ =	shalt  }
0x48: {  	_ =	shalt  }
0x49: {  	_ =	shalt  }
0x4a: {  	_ =	shalt  }
0x4b: {  	_ =	shalt  }
0x4c: {  	_ =	shalt  }
0x4d: {  	_ =	shalt  }
0x4e: {  	_ =	shalt  }
0x4f: {  	_ =	shalt  }
0x50: {  	_ =	shalt  }
0x51: {  	_ =	shalt  }
0x52: {  	_ =	shalt  }
0x53: {  	_ =	shalt  }
0x54: {  	_ =	shalt  }
0x55: {  	_ =	shalt  }
0x56: {  	_ =	shalt  }
0x57: {  	_ =	shalt  }
0x58: {  	_ =	shalt  }
0x59: {  	_ =	shalt  }
0x5a: {  	_ =	shalt  }
0x5b: {  	_ =	shalt  }
0x5c: {  	_ =	shalt  }
0x5d: {  	_ =	shalt  }
0x5e: {  	_ =	shalt  }
0x5f: {  	_ =	shalt  }
0x60: {  	_ =	shalt  }
0x61: {  	_ =	shalt  }
0x62: {  	_ =	shalt  }
0x63: {  	_ =	shalt  }
0x64: {  	_ =	shalt  }
0x65: {  	_ =	shalt  }
0x66: {  	_ =	shalt  }
0x67: {  	_ =	shalt  }
0x68: {  	_ =	shalt  }
0x69: {  	_ =	shalt  }
0x6a: {  	_ =	shalt  }
0x6b: {  	_ =	shalt  }
0x6c: {  	_ =	shalt  }
0x6d: {  	_ =	shalt  }
0x6e: {  	_ =	shalt  }
0x6f: {  	_ =	shalt  }
0x70: {  	_ =	shalt  }
0x71: {  	_ =	shalt  }
0x72: {  	_ =	shalt  }
0x73: {  	_ =	shalt  }
0x74: {  	_ =	shalt  }
0x75: {  	_ =	shalt  }
0x76: {  	_ =	shalt  }
0x77: {  	_ =	shalt  }
0x78: {  	_ =	shalt  }
0x79: {  	_ =	shalt  }
0x7a: {  	_ =	shalt  }
0x7b: {  	_ =	shalt  }
0x7c: {  	_ =	shalt  }
0x7d: {  	_ =	shalt  }
0x7e: {  	_ =	shalt  }
0x7f: {  	_ =	shalt  }
0x80: {  	_ =	shalt  }
0x81: {  	_ =	shalt  }
0x82: {  	_ =	shalt  }
0x83: {  	_ =	shalt  }
0x84: {  	_ =	shalt  }
0x85: {  	_ =	shalt  }
0x86: {  	_ =	shalt  }
0x87: {  	_ =	shalt  }
.Lfunc_end0:
.L_simem_size_0:
called_computation_lowered:
.L_overlay_start_0:
0x88: {  	s2 =	sld [smem:$0x3FD9]  }
0x89: {  	s3 =	sld [smem:$0x3FFE];
	_ =	sdelay $0x1  }
0x8a: {  	s1 =	srdreg.scid  }
0x8b: {  	s0 =	sand.u32 $0x1, s1  }
0x8c: {  	s14 =	sshll.u32 s0, $0xA;
	s2 =	sadd.s32 s3, s2  }
0x8d: {  	s2 =	sadd.s32 s2, s14  }
0x8e: {  	[smem:$0x3FC4] =	sst s2  }
0x8f: {  	_ = 	snop  }
0x90: {  	s2 =	sld [smem:$0x3FD0];
	_ =	sdelay $0x2  }
0x91: {  	s15 =	simm.s32 $0xA;
	s4 =	simm.s32 $0x10  }
0x92: {  	[smem:s4], [sflag:s15] =	dma.local [hbm:s2], $0x1  }
0x93: {  	_ =	swait.eq [sflag:s15], $0x1  }
0x94: {  	s16 =	sld [smem:$0x10];
	[sflag:s15] =	ssyncset.done $0x0  }
0x95: {  	s17 =	sld [smem:$0x11];
	[sflag:s15] =	ssyncadd.s32 $0xFFFFFFFF  }
0x96: {  	s18 =	sld [smem:$0x12];
	(tm) =	ssettm $0x1  }
0x97: {  	s5 =	sld [smem:$0x3FFB];
	_ =	sdelay $0x3  }
0x98: {  	_ =	strace s5  }
0x99: {  	s5 =	sld [smem:$0x3FFC];
	_ =	sdelay $0x3  }
0x9a: {  	_ =	strace s5  }
0x9b: {  	s5 =	sld [smem:$0x3FFD];
	_ =	sdelay $0x3  }
0x9c: {  	_ =	strace s5  }
0x9d: {  	_ =	strace $0x8FFFFFFF  }
0x9e: {  	s19 =	sld [smem:$0x3FDB];
	_ =	sdelay $0x1  }
0x9f: {  	s6 =	simm.s32 $_scs_section_size  }
0xa0: {  	s7 =	simm.s32 $_size__tile_overlayer_lowered;
	s8 =	simm.s32 $_tile_overlayer_lowered  }
0xa1: {  	s22 =	simm.s32 $0x1BFF;
	s21 =	sshll.u32 s8, $0x1;
	s5 =	sadd.s32 s6, s19  }
0xa2: {  	s9 =	simm.s32 $0x0;
	s20 =	sshll.u32 s7, $0x1;
	s7 =	sadd.s32 s21, s5  }
0xa3: {  	[timem:s9], [sflag:s22] =	dma.local [hbm:s7], s20  }
0xa4: {  	_ =	swait.ge [sflag:s22], s20  }
0xa5: {  	s6 =	ssub.s32 $0x0, s20;
	[sflag:s22] =	ssyncset.done $0x0  }
0xa6: {  	[sflag:s22] =	ssyncadd.s32 s6;
	_ =	sdelay $0x1  }
0xa7: {  	s23 =	simm.s32 $0x1B8B  }
0xa8: {  	_ =	swait.ge [sflag:s23], $0x1  }
0xa9: {  	[sflag:s23] =	ssyncset.done $0x0  }
0xaa: {  	s25 =	simm.s32 $0x1B8E;
	s24 =	sld [smem:$0x3FFE];
	[sflag:s23] =	ssyncadd.s32 $0xFFFFFFFF  }
0xab: {  	s26 =	simm.s32 $execute0_lowered;
	[smem:$0x3FD2] =	sst s25  }
0xac: {  	s7 =	sshll.u32 s26, $0x1;
	_ =	strace $0x80000046;
	[dreg:$0x1] =	wrdreg $0xFFFFFFFF  }
0xad: {  	s28 =	simm.s32 $_size_execute0_lowered;
	s5 =	sadd.s32 s5, s7;
	[dreg:$0x0] =	wrdreg $0x0  }
0xae: {  	s7 =	sshll.u32 s28, $0x1;
	[dreg:$0x2] =	wrdreg s5  }
0xaf: {  	[dreg:$0x3] =	wrdreg s7  }
0xb0: {  	[dreg:$0x4] =	wrdreg $0xC0  }
0xb1: {  	_ =	task [dreg:s9], $0x5FFFF  }
0xb2: {  	[dreg:$0x1] =	wrdreg $0xFFFFFFFF  }
0xb3: {  	[dreg:$0x0] =	wrdreg $0x60  }
0xb4: {  	[dreg:$0x2] =	wrdreg s24  }
0xb5: {  	[dreg:$0x3] =	wrdreg s16  }
0xb6: {  	[dreg:$0x4] =	wrdreg s17  }
0xb7: {  	[dreg:$0x5] =	wrdreg s18  }
0xb8: {  	[dreg:$0x6] =	wrdreg $0x9  }
0xb9: {  	_ =	task.clear_ibuf [dreg:s9], $0x7FFFF;
	_ =	strace $0x90000046  }
0xba: {  	s29 =	simm.s32 $0x9;
	_ =	strace $0x80000048  }
0xbb: {  	_ =	swait.ge [sflag:s29], $0x1  }
0xbc: {  	[sflag:s29] =	ssyncadd.s32 $0xFFFFFFFF  }
0xbd: {  	_ =	strace $0x90000048  }
0xbe: {  	_ =	sfence  }
0xbf: {  	s30 =	sld [smem:$0x0];
	_ =	sdelay $0x2  }
0xc0: {  	s31 =	sshll.u32 s1, $0xD;
	s1 =	sshrl.u32 s1, $0x2  }
0xc1: {  	s3 =	sand.u32 $0x4000, s31;
	s1 =	sadd.s32 s1, s30  }
0xc2: {  	s0 =	sor.u32 s3, s0;
	s1 =	sshll.u32 s1, $0x11  }
0xc3: {  	s0 =	sor.u32 s1, s0  }
0xc4: {  	s0 =	sadd.s32 $0x8F2B, s0  }
0xc5: {  	[sflag:s0] =	ssyncadd.remote.s32 $0x1  }
0xc6: {  	_ =	sfence.sel $0xFFFF  }
0xc7: {  	[dreg:$0x0] =	wrdreg $0xFFFFFFFF;
	(pc) =	sbr.abs _section_cstart, $3  }
0xc8: {  	[dreg:$0x1] =	wrdreg $0xFFFFFFFF  }
0xc9: {  	_ =	task.clear_ibuf [dreg:s9], $0x2FFFF;
	_ =	strace $0x9FFFFFFF  }
0xca: {  	(tm) =	ssettm $0x7FFFFFFF  }
0xcb: {  	_ =	shalt  }
tec
execute0_lowered:
.L_overlay_start_1:
0x0: {  	(tag) =	ssettag $0x1  }
0x1: {  	s6 =	rddreg [dreg:$0x0]  }
0x2: {  	s1 =	rddreg [dreg:$0x1]  }
0x3: {  	s7 =	rddreg [dreg:$0x2]  }
0x4: {  	s3 =	rddreg [dreg:$0x3]  }
0x5: {  	s0 =	rddreg [dreg:$0x4]  }
0x6: {  	s5 =	srdreg.scid;
	s2 =	stileid.u32;
	s4 =	simm.s32 $0x0  }
0x7: {  	s12 =	simm.s32 $0x400;
	s13 =	simm.s32 $0x4000;
	s14 =	simm.s32 $0x1  }
0x8: {  	s15 =	simm.s32 $0x2000;
	s16 =	simm.s32 $0x1000;
	s17 =	simm.s32 $0x0  }
0x9: {  	s5 =	sand.u32 $0x1, s5;
	s8 =	sshll.u32 s2, $0x5;
	s9 =	sshll.u32 s2, $0xA  }
0xa: {  	[smem:$0x7FF] =	sst s4;
	p0 =	sgt.u32 s2, $0x7;
	s10 =	sshll.u32 s5, $0x4  }
0xb: {  	s8 =	sand.u32 $0x60, s8;
	s9 =	sand.u32 $0x1000, s9;
	s29 =	ssub.s32 $0x2, s5  }
.Ltmp0:
0xc: {  	_ =	strace $0x80000047;
	s8 =	sor.u32 s10, s8;
	(pc) =	sbr.rel .LBB2_1-.Ltmp0, $4  }
0xd: {  	s30 =	sshrl.u32 s29, $0x1;
	s10 =	simm.s32 $0x5000;
	s5 =	sor.u32 s9, s8  }
0xe: {  	s31 =	ssub.s32 s29, s30;
	s10 =	simm.s32 @!p0 $0x3000;
	s11 =	sadd.s32 s5, s6  }
0xf: {  	s7 =	sadd.s32 s7, s5;
	s9 =	smax.u32 s31, $0x1;
	s6 =	sadd.s32 $0x7000, s11  }
0x10: {  	s8 =	sadd.s32 $0x1000, s11;
	s10 =	sadd.s32 s10, s11;
	s11 =	simm.s32 $0x80  }
.LBB2_6:
0x11: {  	v0 =	vld [tilespmem:s20+$0x4000];
	_ =	sdelay $0x2  }
0x12: {  	v1 =	vld [tilespmem:s20+$0x1000];
	_ =	sdelay $0x4  }
0x13: {  	s18 =	smov.u32 s1;
	[tilespmem:v0+s19+$0x0] =	vst.idx.msk $0xffff, v1  }
.LBB2_7:
0x14: {  	s17 =	sadd.s32 $0x1, s17  }
0x15: {  	p1 =	sne.s32 s17, s9  }
.Ltmp1:
0x16: {  	s18 =	sadd.s32 s18, s5;
	(pc) =	sbr.rel @!p1 .LBB2_8-.Ltmp1, $4  }
0x17: {  	[hbm4b:s18+s11] =	stream.strided.scatter [tilespmem:s19], [sflag:$0x1], $0x1000, s12, s11, $0x38;
	[tilespmem:$0x5000] =	vst v63  }
0x18: {  	_ =	swait.ge [sflag:s14], $0x1000  }
0x19: {  	[sflag:s14] =	ssyncset.done $0x0  }
0x1a: {  	[sflag:s14] =	ssyncadd.s32 $0xFFFFF000  }
.LBB2_1:
0x1b: {  	[tilespmem:s13], [sflag:$0x1] =	stream.strided.gather [hbm4b:s6+s11], $0x1000, s12, s11, $0x38;
	[tilespmem:$0x5000] =	vst v63  }
0x1c: {  	_ =	swait.ge [sflag:s14], $0x1000  }
0x1d: {  	[sflag:s14] =	ssyncset.done $0x0  }
0x1e: {  	[sflag:s14] =	ssyncadd.s32 $0xFFFFF000  }
0x1f: {  	[tilespmem:s4], [sflag:$0x1] =	stream.strided.gather [hbm4b:s10+s11], $0x1000, s12, s11, $0x38;
	[tilespmem:$0x5000] =	vst v63  }
0x20: {  	_ =	swait.ge [sflag:s14], $0x1000  }
0x21: {  	[sflag:s14] =	ssyncset.done $0x0  }
0x22: {  	s19 =	simm.s32 $0x0;
	s18 =	simm.s32 $0x40;
	[sflag:s14] =	ssyncadd.s32 $0xFFFFF000  }
.LBB2_2:
0x23: {  	p1 =	sne.s32 s18, $0x3FC0;
	v0 =	vld [tilespmem:s19+$0x4000];
	_ =	sdelay $0x2  }
0x24: {  	v1 =	vld [tilespmem:s19+$0x0]  }
.Ltmp2:
0x25: {  	(pc) =	sbr.rel @p1 .LBB2_2-.Ltmp2, $2  }
0x26: {  	_ =	sdelay $0x2  }
0x27: {  	s19 =	sshra.s32 s18, $0x2;
	s18 =	sadd.s32 $0x40, s18;
	[tilespmem:v0+s15+$0x0] =	vst.idx.msk $0xffff, v1  }
0x28: {  	v0 =	vld [tilespmem:s19+$0x4000];
	_ =	sdelay $0x2  }
0x29: {  	v1 =	vld [tilespmem:s19+$0x0]  }
.Ltmp3:
0x2a: {  	_ = 	snop;
	(pc) =	sbr.rel @p0 .LBB2_7-.Ltmp3, $2  }
0x2b: {  	_ =	sdelay $0x2  }
0x2c: {  	s19 =	simm.s32 $0x2000;
	s18 =	smov.u32 s3;
	[tilespmem:v0+s15+$0x0] =	vst.idx.msk $0xffff, v1  }
0x2d: {  	[hbm4b:s7+s11] =	stream.strided.scatter [tilespmem:s15], [sflag:$0x1], $0x1000, s12, s11, $0x38;
	[tilespmem:$0x5000] =	vst v63  }
0x2e: {  	_ =	swait.ge [sflag:s14], $0x1000  }
0x2f: {  	[sflag:s14] =	ssyncset.done $0x0  }
0x30: {  	[sflag:s14] =	ssyncadd.s32 $0xFFFFF000  }
0x31: {  	[tilespmem:s16], [sflag:$0x1] =	stream.strided.gather [hbm4b:s8+s11], $0x1000, s12, s11, $0x38;
	[tilespmem:$0x5000] =	vst v63  }
0x32: {  	_ =	swait.ge [sflag:s14], $0x1000  }
0x33: {  	[sflag:s14] =	ssyncset.done $0x0  }
0x34: {  	s20 =	simm.s32 $0x0;
	s18 =	simm.s32 $0x40;
	[sflag:s14] =	ssyncadd.s32 $0xFFFFF000  }
.LBB2_5:
0x35: {  	p1 =	sne.s32 s18, $0x3FC0;
	v0 =	vld [tilespmem:s20+$0x4000];
	_ =	sdelay $0x2  }
0x36: {  	v1 =	vld [tilespmem:s20+$0x1000]  }
.Ltmp4:
0x37: {  	(pc) =	sbr.rel @p1 .LBB2_5-.Ltmp4, $3  }
0x38: {  	_ =	sdelay $0x1  }
0x39: {  	s19 =	simm.s32 $0x3000  }
0x3a: {  	s20 =	sshra.s32 s18, $0x2;
	s18 =	sadd.s32 $0x40, s18;
	[tilespmem:v0+s19+$0x0] =	vst.idx.msk $0xffff, v1  }
.Ltmp5:
0x3b: {  	_ = 	snop;
	(pc) =	sbr.rel .LBB2_6-.Ltmp5, $1  }
0x3c: {  	_ =	sdelay $0x3  }
.LBB2_8:
0x3d: {  	_ =	sfence.sel $0x180000  }
0x3e: {  	[bflag:$0x0] =	sbarrier.arrive $0xFFFF  }
0x3f: {  	p0 =	sne.s32 s2, $0x0;
	_ =	strace $0x90000047  }
0x40: {  	s0 =	sadd.s32 @!p0 $0x100000, s0;
	[bflag:$0x2] =	sbarrier.arrive $0xFFFF  }
0x41: {  	[sflag:s0] =	ssyncadd.tile.s32 @!p0 $0x1;
	_ =	shalt  }
.Lfunc_end2:
_tile_overlayer_lowered:
.L_overlay_start_2:
0x42: {  	(tag) =	ssettag $0x2  }
0x43: {  	s0 =	rddreg [dreg:$0x0];
	s2 =	stileid.u32  }
0x44: {  	s1 =	rddreg [dreg:$0x1];
	p0 =	sne.s32 s2, $0x0  }
0x45: {  	s3 =	rddreg [dreg:$0x2];
	[bflag:$0x3] =	sbarrier.arrive $0xFFFF;
	s2 =	simm.s32 @!p0 $0x1C01  }
0x46: {  	[timem:s3], [sflag:s2] =	dma.local @!p0 [hbm:s0], s1  }
0x47: {  	s0 =	simm.s32 @!p0 $0x1  }
0x48: {  	_ =	swait.ge @!p0 [sflag:s0], s1  }
0x49: {  	s1 =	ssub.s32 @!p0 $0x0, s1;
	[sflag:s0] =	ssyncset.done @!p0 $0x0  }
0x4a: {  	[sflag:s0] =	ssyncadd.s32 @!p0 s1  }
0x4b: {  	[bflag:$0x3] =	sbarrier.arrive $0xFFFF  }
0x4c: {  	_ =	shalt  }

</sc_bundles>
